<compile_context>
chip_gen: v7x
topology: tpu7x:2x2x1
jax: 0.10.2.dev20260603
libtpu: 0.0.44.dev20260713+nightly
codegen_flags: <defaults>
</compile_context>

<pallas_src>
import functools

import jax
import jax.numpy as jnp
from jax import lax
from jax.experimental import pallas as pl
from jax.experimental.pallas import tpu as pltpu
from jax.experimental.pallas import tpu_sc as plsc

VOCAB = 100000
HIDDEN = 512
EMBED = 128

M_BLK = 5000

NC = 2
NS = 16
NW = NC * NS
NBUF = 6


def _matmul_body(base_ref, w_ref, out_ref):
    out_ref[...] = jnp.dot(base_ref[...], w_ref[...],
                           preferred_element_type=jnp.float32)


def _compose_table(base, W):
    grid = VOCAB // M_BLK
    return pl.pallas_call(
        _matmul_body,
        grid=(grid,),
        in_specs=[
            pl.BlockSpec((M_BLK, HIDDEN), lambda i: (i, 0)),
            pl.BlockSpec((HIDDEN, EMBED), lambda i: (0, 0)),
        ],
        out_specs=pl.BlockSpec((M_BLK, EMBED), lambda i: (i, 0)),
        out_shape=jax.ShapeDtypeStruct((VOCAB, EMBED), jnp.float32),
    )(base, W)


def _make_gather(bsz, seq):
    b_per_w = bsz // NW
    n_chunks = seq
    mesh = plsc.VectorSubcoreMesh(core_axis_name="c", subcore_axis_name="s")

    @functools.partial(
        pl.kernel,
        mesh=mesh,
        out_type=jax.ShapeDtypeStruct((seq, bsz, EMBED), jnp.float32),
        scratch_types=[
            pltpu.VMEM((n_chunks, b_per_w), jnp.int32),
        ] + [pltpu.VMEM((b_per_w, EMBED), jnp.float32)
             for _ in range(NBUF)]
        + [pltpu.SemaphoreType.DMA for _ in range(2 * NBUF)],
    )
    def gather_k(table_hbm, idx_hbm, out_hbm, idx_v, *bufs_sems):
        bufs = bufs_sems[:NBUF]
        gsems = bufs_sems[NBUF:2 * NBUF]
        osems = bufs_sems[2 * NBUF:]

        wid = lax.axis_index("s") * NC + lax.axis_index("c")
        b0 = wid * b_per_w
        pltpu.sync_copy(idx_hbm.at[wid], idx_v)

        def fire(c, b):
            pltpu.async_copy(table_hbm.at[idx_v.at[c]], bufs[b], gsems[b])

        def drain(c, b):
            pltpu.make_async_copy(table_hbm.at[idx_v.at[c]], bufs[b],
                                  gsems[b]).wait()

        def fire_write(c, b):
            pltpu.async_copy(bufs[b], out_hbm.at[c, pl.ds(b0, b_per_w)],
                             osems[b])

        def wait_write(c, b):
            pltpu.make_async_copy(bufs[b], out_hbm.at[c, pl.ds(b0, b_per_w)],
                                  osems[b]).wait()

        def on_slot(slot, fn):
            for b in range(NBUF):
                @pl.when(slot == b)
                def _():
                    fn(b)

        for c in range(NBUF - 1):
            fire(c, c)

        def body(g, _):
            slot = lax.rem(g, NBUF)
            on_slot(slot, lambda b: drain(g, b))
            on_slot(slot, lambda b: fire_write(g, b))

            @pl.when(g + NBUF - 1 < n_chunks)
            def _():
                nslot = lax.rem(g + NBUF - 1, NBUF)

                @pl.when(g >= 1)
                def _():
                    on_slot(nslot, lambda b: wait_write(g - 1, b))
                on_slot(nslot, lambda b: fire(g + NBUF - 1, b))
            return 0

        lax.fori_loop(0, n_chunks, body, 0)

        for c in range(n_chunks - NBUF, n_chunks):
            wait_write(c, c % NBUF)

    return gather_k


def kernel(data, base, W):
    d = jnp.squeeze(data, axis=2)
    bsz, seq = d.shape
    idx = (d.astype(jnp.int32)
           .T.reshape(seq, NW, bsz // NW)
           .transpose(1, 0, 2))

    var = _compose_table(base, W)
    out = _make_gather(bsz, seq)(var, idx)
    return jnp.transpose(out, (1, 0, 2))

# --- scband reference (transcript-rebuilt; emitter-appended) ---
"""Pipeline reference for scband-var-embedding-18966575579825 (READ-ONLY COPY).

The authoritative reference and input builder live on the scoring server;
editing this copy changes nothing except your own understanding.
"""

import jax, jax.numpy as jnp
import numpy as np

VOCAB = 100000
HIDDEN = 512
EMBED = 128
B = 4096
L = 50


def setup_inputs(seed: int = 0):
    key = jax.random.key(seed)
    k1, k2, k3 = jax.random.split(key, 3)
    data = jax.random.randint(k1, (B, L, 1), 0, VOCAB)
    base = jax.random.normal(k2, (VOCAB, HIDDEN), dtype=jnp.float32) * 0.02
    W = jax.random.normal(k3, (HIDDEN, EMBED), dtype=jnp.float32) * 0.02
    return {"data": data, "base": base, "W": W}


def reference(data, base, W):
    # forward: data.squeeze(dim=2) then lookup (eval path: word_representer.forward_parts())
    d = jnp.squeeze(data, axis=2)  # [B, L]
    # word_representer.forward_parts(): compose full embedding table from base params
    var = base @ W  # [VOCAB, EMBED]
    embedding_size = var.shape[1]
    batch_size = d.shape[0]
    seq_len = d.shape[1]
    flat = d.reshape(-1)
    var_data = jnp.take(var, flat, axis=0)  # var[data]
    var_data = var_data.reshape(batch_size, seq_len, embedding_size)
    return var_data

if __name__ == "__main__":
    import jax
    _d = setup_inputs()
    print(jax.jit(kernel)(*tuple(_d.values())))

</pallas_src>

<mosaic_0001>
#map = affine_map<(d0, d1) -> (0, 0)>
#map1 = affine_map<(d0, d1) -> (0, 0, 0)>
module attributes {stable_mosaic.version = 14 : i64} {
  func.func @gather_k(%arg0: i32, %arg1: i32, %arg2: memref<100000x128xf32, #tpu.memory_space<hbm>>, %arg3: memref<32x50x128xi32, #tpu.memory_space<hbm>>, %arg4: memref<50x4096x128xf32, #tpu.memory_space<hbm>>, %arg5: memref<50x128xi32, #tpu.memory_space<vmem>>, %arg6: memref<128x128xf32, #tpu.memory_space<vmem>>, %arg7: memref<128x128xf32, #tpu.memory_space<vmem>>, %arg8: memref<128x128xf32, #tpu.memory_space<vmem>>, %arg9: memref<128x128xf32, #tpu.memory_space<vmem>>, %arg10: memref<128x128xf32, #tpu.memory_space<vmem>>, %arg11: memref<128x128xf32, #tpu.memory_space<vmem>>, %arg12: memref<!tpu.dma_semaphore, #tpu.memory_space<semaphore_mem>>, %arg13: memref<!tpu.dma_semaphore, #tpu.memory_space<semaphore_mem>>, %arg14: memref<!tpu.dma_semaphore, #tpu.memory_space<semaphore_mem>>, %arg15: memref<!tpu.dma_semaphore, #tpu.memory_space<semaphore_mem>>, %arg16: memref<!tpu.dma_semaphore, #tpu.memory_space<semaphore_mem>>, %arg17: memref<!tpu.dma_semaphore, #tpu.memory_space<semaphore_mem>>, %arg18: memref<!tpu.dma_semaphore, #tpu.memory_space<semaphore_mem>>, %arg19: memref<!tpu.dma_semaphore, #tpu.memory_space<semaphore_mem>>, %arg20: memref<!tpu.dma_semaphore, #tpu.memory_space<semaphore_mem>>, %arg21: memref<!tpu.dma_semaphore, #tpu.memory_space<semaphore_mem>>, %arg22: memref<!tpu.dma_semaphore, #tpu.memory_space<semaphore_mem>>, %arg23: memref<!tpu.dma_semaphore, #tpu.memory_space<semaphore_mem>>) attributes {dimension_semantics = [#tpu.dimension_semantics<core_parallel>, #tpu.dimension_semantics<subcore_parallel>], iteration_bounds = array<i64: 2, 16>, scalar_prefetch = 0 : i64, scratch_operands = 19 : i64, tpu.core_type = #tpu.core_type<sc_vector_subcore>, window_params = [{transform_indices = #map}, {transform_indices = #map1}, {transform_indices = #map1}]} {
    %mul3A = arith.constant 2 : i32
    %mul3A_0 = arith.muli %arg1, %mul3A : i32
    %add3A = arith.addi %mul3A_0, %arg0 : i32
    %mul3A_1 = arith.constant 128 : i32
    %mul3A_2 = arith.muli %add3A, %mul3A_1 : i32
    "tpu.region"() ({
      %run_scoped3A = tpu.sem_alloc : memref<!tpu.dma_semaphore, #tpu.memory_space<semaphore_mem>>
      %dma_start3A_84 = arith.constant 0 : i32
      %dma_start3A_85 = arith.constant 0 : i32
      %dma_start3A_86 = tpu.memref_slice %arg3[%add3A, %dma_start3A_84, %dma_start3A_85] : memref<32x50x128xi32, #tpu.memory_space<hbm>> -> memref<1x50x128xi32, #tpu.memory_space<hbm>>
      %dma_start3A_87 = tpu.memref_squeeze %dma_start3A_86 : memref<1x50x128xi32, #tpu.memory_space<hbm>> -> memref<50x128xi32, #tpu.memory_space<hbm>>
      %dma_start3A_88 = arith.constant 0 : i32
      %dma_start3A_89 = arith.constant 0 : i32
      %dma_start3A_90 = tpu.memref_slice %arg3[%add3A, %dma_start3A_88, %dma_start3A_89] : memref<32x50x128xi32, #tpu.memory_space<hbm>> -> memref<1x50x128xi32, #tpu.memory_space<hbm>>
      %dma_start3A_91 = tpu.memref_squeeze %dma_start3A_90 : memref<1x50x128xi32, #tpu.memory_space<hbm>> -> memref<50x128xi32, #tpu.memory_space<hbm>>
      tpu.enqueue_dma source(%dma_start3A_91 : memref<50x128xi32, #tpu.memory_space<hbm>>) target(%arg5 : memref<50x128xi32, #tpu.memory_space<vmem>>) target_semaphore(%run_scoped3A : memref<!tpu.dma_semaphore, #tpu.memory_space<semaphore_mem>>)
      %dma_wait3A_92 = arith.constant 0 : i32
      %dma_wait3A_93 = arith.constant 0 : i32
      %dma_wait3A_94 = tpu.memref_slice %arg3[%add3A, %dma_wait3A_92, %dma_wait3A_93] : memref<32x50x128xi32, #tpu.memory_space<hbm>> -> memref<1x50x128xi32, #tpu.memory_space<hbm>>
      %dma_wait3A_95 = tpu.memref_squeeze %dma_wait3A_94 : memref<1x50x128xi32, #tpu.memory_space<hbm>> -> memref<50x128xi32, #tpu.memory_space<hbm>>
      %dma_wait3A_96 = arith.constant 0 : i32
      %dma_wait3A_97 = arith.constant 0 : i32
      %dma_wait3A_98 = tpu.memref_slice %arg3[%add3A, %dma_wait3A_96, %dma_wait3A_97] : memref<32x50x128xi32, #tpu.memory_space<hbm>> -> memref<1x50x128xi32, #tpu.memory_space<hbm>>
      %dma_wait3A_99 = tpu.memref_squeeze %dma_wait3A_98 : memref<1x50x128xi32, #tpu.memory_space<hbm>> -> memref<50x128xi32, #tpu.memory_space<hbm>>
      tpu.wait_dma2 semaphore(%run_scoped3A : memref<!tpu.dma_semaphore, #tpu.memory_space<semaphore_mem>>) src(%dma_wait3A_99 : memref<50x128xi32, #tpu.memory_space<hbm>>) dst(%arg5 : memref<50x128xi32, #tpu.memory_space<vmem>>)
      tpu.yield
    }) : () -> ()
    %dma_start3A = arith.constant 0 : i32
    %dma_start3A_3 = arith.constant 0 : i32
    %dma_start3A_4 = tpu.memref_slice %arg5[%dma_start3A, %dma_start3A_3] : memref<50x128xi32, #tpu.memory_space<vmem>> -> memref<1x128xi32, #tpu.memory_space<vmem>>
    %dma_start3A_5 = tpu.memref_squeeze %dma_start3A_4 : memref<1x128xi32, #tpu.memory_space<vmem>> -> memref<128xi32, #tpu.memory_space<vmem>>
    %dma_start3A_6 = arith.constant 0 : i32
    %dma_start3A_7 = arith.constant 0 : i32
    %dma_start3A_8 = tpu.memref_slice %arg2[%dma_start3A_6, %dma_start3A_7] : memref<100000x128xf32, #tpu.memory_space<hbm>> -> memref<100000x128xf32, #tpu.memory_space<hbm>>
    tpu.enqueue_indirect_dma source(%dma_start3A_8 : memref<100000x128xf32, #tpu.memory_space<hbm>>) target(%arg6 : memref<128x128xf32, #tpu.memory_space<vmem>>) offsets(%dma_start3A_5 : memref<128xi32, #tpu.memory_space<vmem>>) semaphore(%arg12 : memref<!tpu.dma_semaphore, #tpu.memory_space<semaphore_mem>>)
    %dma_start3A_9 = arith.constant 1 : i32
    %dma_start3A_10 = arith.constant 0 : i32
    %dma_start3A_11 = tpu.memref_slice %arg5[%dma_start3A_9, %dma_start3A_10] : memref<50x128xi32, #tpu.memory_space<vmem>> -> memref<1x128xi32, #tpu.memory_space<vmem>>
    %dma_start3A_12 = tpu.memref_squeeze %dma_start3A_11 : memref<1x128xi32, #tpu.memory_space<vmem>> -> memref<128xi32, #tpu.memory_space<vmem>>
    %dma_start3A_13 = arith.constant 0 : i32
    %dma_start3A_14 = arith.constant 0 : i32
    %dma_start3A_15 = tpu.memref_slice %arg2[%dma_start3A_13, %dma_start3A_14] : memref<100000x128xf32, #tpu.memory_space<hbm>> -> memref<100000x128xf32, #tpu.memory_space<hbm>>
    tpu.enqueue_indirect_dma source(%dma_start3A_15 : memref<100000x128xf32, #tpu.memory_space<hbm>>) target(%arg7 : memref<128x128xf32, #tpu.memory_space<vmem>>) offsets(%dma_start3A_12 : memref<128xi32, #tpu.memory_space<vmem>>) semaphore(%arg13 : memref<!tpu.dma_semaphore, #tpu.memory_space<semaphore_mem>>)
    %dma_start3A_16 = arith.constant 2 : i32
    %dma_start3A_17 = arith.constant 0 : i32
    %dma_start3A_18 = tpu.memref_slice %arg5[%dma_start3A_16, %dma_start3A_17] : memref<50x128xi32, #tpu.memory_space<vmem>> -> memref<1x128xi32, #tpu.memory_space<vmem>>
    %dma_start3A_19 = tpu.memref_squeeze %dma_start3A_18 : memref<1x128xi32, #tpu.memory_space<vmem>> -> memref<128xi32, #tpu.memory_space<vmem>>
    %dma_start3A_20 = arith.constant 0 : i32
    %dma_start3A_21 = arith.constant 0 : i32
    %dma_start3A_22 = tpu.memref_slice %arg2[%dma_start3A_20, %dma_start3A_21] : memref<100000x128xf32, #tpu.memory_space<hbm>> -> memref<100000x128xf32, #tpu.memory_space<hbm>>
    tpu.enqueue_indirect_dma source(%dma_start3A_22 : memref<100000x128xf32, #tpu.memory_space<hbm>>) target(%arg8 : memref<128x128xf32, #tpu.memory_space<vmem>>) offsets(%dma_start3A_19 : memref<128xi32, #tpu.memory_space<vmem>>) semaphore(%arg14 : memref<!tpu.dma_semaphore, #tpu.memory_space<semaphore_mem>>)
    %dma_start3A_23 = arith.constant 3 : i32
    %dma_start3A_24 = arith.constant 0 : i32
    %dma_start3A_25 = tpu.memref_slice %arg5[%dma_start3A_23, %dma_start3A_24] : memref<50x128xi32, #tpu.memory_space<vmem>> -> memref<1x128xi32, #tpu.memory_space<vmem>>
    %dma_start3A_26 = tpu.memref_squeeze %dma_start3A_25 : memref<1x128xi32, #tpu.memory_space<vmem>> -> memref<128xi32, #tpu.memory_space<vmem>>
    %dma_start3A_27 = arith.constant 0 : i32
    %dma_start3A_28 = arith.constant 0 : i32
    %dma_start3A_29 = tpu.memref_slice %arg2[%dma_start3A_27, %dma_start3A_28] : memref<100000x128xf32, #tpu.memory_space<hbm>> -> memref<100000x128xf32, #tpu.memory_space<hbm>>
    tpu.enqueue_indirect_dma source(%dma_start3A_29 : memref<100000x128xf32, #tpu.memory_space<hbm>>) target(%arg9 : memref<128x128xf32, #tpu.memory_space<vmem>>) offsets(%dma_start3A_26 : memref<128xi32, #tpu.memory_space<vmem>>) semaphore(%arg15 : memref<!tpu.dma_semaphore, #tpu.memory_space<semaphore_mem>>)
    %dma_start3A_30 = arith.constant 4 : i32
    %dma_start3A_31 = arith.constant 0 : i32
    %dma_start3A_32 = tpu.memref_slice %arg5[%dma_start3A_30, %dma_start3A_31] : memref<50x128xi32, #tpu.memory_space<vmem>> -> memref<1x128xi32, #tpu.memory_space<vmem>>
    %dma_start3A_33 = tpu.memref_squeeze %dma_start3A_32 : memref<1x128xi32, #tpu.memory_space<vmem>> -> memref<128xi32, #tpu.memory_space<vmem>>
    %dma_start3A_34 = arith.constant 0 : i32
    %dma_start3A_35 = arith.constant 0 : i32
    %dma_start3A_36 = tpu.memref_slice %arg2[%dma_start3A_34, %dma_start3A_35] : memref<100000x128xf32, #tpu.memory_space<hbm>> -> memref<100000x128xf32, #tpu.memory_space<hbm>>
    tpu.enqueue_indirect_dma source(%dma_start3A_36 : memref<100000x128xf32, #tpu.memory_space<hbm>>) target(%arg10 : memref<128x128xf32, #tpu.memory_space<vmem>>) offsets(%dma_start3A_33 : memref<128xi32, #tpu.memory_space<vmem>>) semaphore(%arg16 : memref<!tpu.dma_semaphore, #tpu.memory_space<semaphore_mem>>)
    %scan3A = arith.constant 0 : i32
    %scan3A_37 = arith.constant 0 : i32
    %scan3A_38 = arith.constant 50 : i32
    %scan3A_39 = arith.addi %scan3A_37, %scan3A_38 : i32
    %scan3A_40 = arith.constant 1 : i32
    %scan3A_41 = scf.for %scan3A_84 = %scan3A_37 to %scan3A_39 step %scan3A_40 iter_args(%scan3A_85 = %scan3A) -> (i32)  : i32 {
      %rem3A = arith.constant 6 : i32
      %rem3A_86 = arith.remsi %scan3A_84, %rem3A : i32
      %eq3A = arith.constant 0 : i32
      %eq3A_87 = arith.cmpi eq, %rem3A_86, %eq3A : i32
      %convert_element_type3A = arith.extui %eq3A_87 : i1 to i32
      %cond3A = arith.constant 0 : i32
      %cond3A_88 = arith.cmpi ne, %convert_element_type3A, %cond3A : i32
      scf.if %cond3A_88 {
        %dma_wait3A_152 = arith.constant 0 : i32
        %dma_wait3A_153 = tpu.memref_slice %arg5[%scan3A_84, %dma_wait3A_152] : memref<50x128xi32, #tpu.memory_space<vmem>> -> memref<1x128xi32, #tpu.memory_space<vmem>>
        %dma_wait3A_154 = tpu.memref_squeeze %dma_wait3A_153 : memref<1x128xi32, #tpu.memory_space<vmem>> -> memref<128xi32, #tpu.memory_space<vmem>>
        %dma_wait3A_155 = arith.constant 0 : i32
        %dma_wait3A_156 = arith.constant 0 : i32
        %dma_wait3A_157 = tpu.memref_slice %arg2[%dma_wait3A_155, %dma_wait3A_156] : memref<100000x128xf32, #tpu.memory_space<hbm>> -> memref<100000x128xf32, #tpu.memory_space<hbm>>
        tpu.wait_indirect_dma semaphore(%arg12 : memref<!tpu.dma_semaphore, #tpu.memory_space<semaphore_mem>>) src(%dma_wait3A_157 : memref<100000x128xf32, #tpu.memory_space<hbm>>) dst(%arg6 : memref<128x128xf32, #tpu.memory_space<vmem>>)
      } else {
      }
      %eq3A_89 = arith.constant 1 : i32
      %eq3A_90 = arith.cmpi eq, %rem3A_86, %eq3A_89 : i32
      %convert_element_type3A_91 = arith.extui %eq3A_90 : i1 to i32
      %cond3A_92 = arith.constant 0 : i32
      %cond3A_93 = arith.cmpi ne, %convert_element_type3A_91, %cond3A_92 : i32
      scf.if %cond3A_93 {
        %dma_wait3A_152 = arith.constant 0 : i32
        %dma_wait3A_153 = tpu.memref_slice %arg5[%scan3A_84, %dma_wait3A_152] : memref<50x128xi32, #tpu.memory_space<vmem>> -> memref<1x128xi32, #tpu.memory_space<vmem>>
        %dma_wait3A_154 = tpu.memref_squeeze %dma_wait3A_153 : memref<1x128xi32, #tpu.memory_space<vmem>> -> memref<128xi32, #tpu.memory_space<vmem>>
        %dma_wait3A_155 = arith.constant 0 : i32
        %dma_wait3A_156 = arith.constant 0 : i32
        %dma_wait3A_157 = tpu.memref_slice %arg2[%dma_wait3A_155, %dma_wait3A_156] : memref<100000x128xf32, #tpu.memory_space<hbm>> -> memref<100000x128xf32, #tpu.memory_space<hbm>>
        tpu.wait_indirect_dma semaphore(%arg13 : memref<!tpu.dma_semaphore, #tpu.memory_space<semaphore_mem>>) src(%dma_wait3A_157 : memref<100000x128xf32, #tpu.memory_space<hbm>>) dst(%arg7 : memref<128x128xf32, #tpu.memory_space<vmem>>)
      } else {
      }
      %eq3A_94 = arith.constant 2 : i32
      %eq3A_95 = arith.cmpi eq, %rem3A_86, %eq3A_94 : i32
      %convert_element_type3A_96 = arith.extui %eq3A_95 : i1 to i32
      %cond3A_97 = arith.constant 0 : i32
      %cond3A_98 = arith.cmpi ne, %convert_element_type3A_96, %cond3A_97 : i32
      scf.if %cond3A_98 {
        %dma_wait3A_152 = arith.constant 0 : i32
        %dma_wait3A_153 = tpu.memref_slice %arg5[%scan3A_84, %dma_wait3A_152] : memref<50x128xi32, #tpu.memory_space<vmem>> -> memref<1x128xi32, #tpu.memory_space<vmem>>
        %dma_wait3A_154 = tpu.memref_squeeze %dma_wait3A_153 : memref<1x128xi32, #tpu.memory_space<vmem>> -> memref<128xi32, #tpu.memory_space<vmem>>
        %dma_wait3A_155 = arith.constant 0 : i32
        %dma_wait3A_156 = arith.constant 0 : i32
        %dma_wait3A_157 = tpu.memref_slice %arg2[%dma_wait3A_155, %dma_wait3A_156] : memref<100000x128xf32, #tpu.memory_space<hbm>> -> memref<100000x128xf32, #tpu.memory_space<hbm>>
        tpu.wait_indirect_dma semaphore(%arg14 : memref<!tpu.dma_semaphore, #tpu.memory_space<semaphore_mem>>) src(%dma_wait3A_157 : memref<100000x128xf32, #tpu.memory_space<hbm>>) dst(%arg8 : memref<128x128xf32, #tpu.memory_space<vmem>>)
      } else {
      }
      %eq3A_99 = arith.constant 3 : i32
      %eq3A_100 = arith.cmpi eq, %rem3A_86, %eq3A_99 : i32
      %convert_element_type3A_101 = arith.extui %eq3A_100 : i1 to i32
      %cond3A_102 = arith.constant 0 : i32
      %cond3A_103 = arith.cmpi ne, %convert_element_type3A_101, %cond3A_102 : i32
      scf.if %cond3A_103 {
        %dma_wait3A_152 = arith.constant 0 : i32
        %dma_wait3A_153 = tpu.memref_slice %arg5[%scan3A_84, %dma_wait3A_152] : memref<50x128xi32, #tpu.memory_space<vmem>> -> memref<1x128xi32, #tpu.memory_space<vmem>>
        %dma_wait3A_154 = tpu.memref_squeeze %dma_wait3A_153 : memref<1x128xi32, #tpu.memory_space<vmem>> -> memref<128xi32, #tpu.memory_space<vmem>>
        %dma_wait3A_155 = arith.constant 0 : i32
        %dma_wait3A_156 = arith.constant 0 : i32
        %dma_wait3A_157 = tpu.memref_slice %arg2[%dma_wait3A_155, %dma_wait3A_156] : memref<100000x128xf32, #tpu.memory_space<hbm>> -> memref<100000x128xf32, #tpu.memory_space<hbm>>
        tpu.wait_indirect_dma semaphore(%arg15 : memref<!tpu.dma_semaphore, #tpu.memory_space<semaphore_mem>>) src(%dma_wait3A_157 : memref<100000x128xf32, #tpu.memory_space<hbm>>) dst(%arg9 : memref<128x128xf32, #tpu.memory_space<vmem>>)
      } else {
      }
      %eq3A_104 = arith.constant 4 : i32
      %eq3A_105 = arith.cmpi eq, %rem3A_86, %eq3A_104 : i32
      %convert_element_type3A_106 = arith.extui %eq3A_105 : i1 to i32
      %cond3A_107 = arith.constant 0 : i32
      %cond3A_108 = arith.cmpi ne, %convert_element_type3A_106, %cond3A_107 : i32
      scf.if %cond3A_108 {
        %dma_wait3A_152 = arith.constant 0 : i32
        %dma_wait3A_153 = tpu.memref_slice %arg5[%scan3A_84, %dma_wait3A_152] : memref<50x128xi32, #tpu.memory_space<vmem>> -> memref<1x128xi32, #tpu.memory_space<vmem>>
        %dma_wait3A_154 = tpu.memref_squeeze %dma_wait3A_153 : memref<1x128xi32, #tpu.memory_space<vmem>> -> memref<128xi32, #tpu.memory_space<vmem>>
        %dma_wait3A_155 = arith.constant 0 : i32
        %dma_wait3A_156 = arith.constant 0 : i32
        %dma_wait3A_157 = tpu.memref_slice %arg2[%dma_wait3A_155, %dma_wait3A_156] : memref<100000x128xf32, #tpu.memory_space<hbm>> -> memref<100000x128xf32, #tpu.memory_space<hbm>>
        tpu.wait_indirect_dma semaphore(%arg16 : memref<!tpu.dma_semaphore, #tpu.memory_space<semaphore_mem>>) src(%dma_wait3A_157 : memref<100000x128xf32, #tpu.memory_space<hbm>>) dst(%arg10 : memref<128x128xf32, #tpu.memory_space<vmem>>)
      } else {
      }
      %eq3A_109 = arith.constant 5 : i32
      %eq3A_110 = arith.cmpi eq, %rem3A_86, %eq3A_109 : i32
      %convert_element_type3A_111 = arith.extui %eq3A_110 : i1 to i32
      %cond3A_112 = arith.constant 0 : i32
      %cond3A_113 = arith.cmpi ne, %convert_element_type3A_111, %cond3A_112 : i32
      scf.if %cond3A_113 {
        %dma_wait3A_152 = arith.constant 0 : i32
        %dma_wait3A_153 = tpu.memref_slice %arg5[%scan3A_84, %dma_wait3A_152] : memref<50x128xi32, #tpu.memory_space<vmem>> -> memref<1x128xi32, #tpu.memory_space<vmem>>
        %dma_wait3A_154 = tpu.memref_squeeze %dma_wait3A_153 : memref<1x128xi32, #tpu.memory_space<vmem>> -> memref<128xi32, #tpu.memory_space<vmem>>
        %dma_wait3A_155 = arith.constant 0 : i32
        %dma_wait3A_156 = arith.constant 0 : i32
        %dma_wait3A_157 = tpu.memref_slice %arg2[%dma_wait3A_155, %dma_wait3A_156] : memref<100000x128xf32, #tpu.memory_space<hbm>> -> memref<100000x128xf32, #tpu.memory_space<hbm>>
        tpu.wait_indirect_dma semaphore(%arg17 : memref<!tpu.dma_semaphore, #tpu.memory_space<semaphore_mem>>) src(%dma_wait3A_157 : memref<100000x128xf32, #tpu.memory_space<hbm>>) dst(%arg11 : memref<128x128xf32, #tpu.memory_space<vmem>>)
      } else {
      }
      %eq3A_114 = arith.constant 0 : i32
      %eq3A_115 = arith.cmpi eq, %rem3A_86, %eq3A_114 : i32
      %convert_element_type3A_116 = arith.extui %eq3A_115 : i1 to i32
      %cond3A_117 = arith.constant 0 : i32
      %cond3A_118 = arith.cmpi ne, %convert_element_type3A_116, %cond3A_117 : i32
      scf.if %cond3A_118 {
        %dma_start3A_152 = arith.constant 0 : i32
        %dma_start3A_153 = tpu.memref_slice %arg4[%scan3A_84, %mul3A_2, %dma_start3A_152] : memref<50x4096x128xf32, #tpu.memory_space<hbm>> -> memref<1x128x128xf32, #tpu.memory_space<hbm>>
        %dma_start3A_154 = tpu.memref_squeeze %dma_start3A_153 : memref<1x128x128xf32, #tpu.memory_space<hbm>> -> memref<128x128xf32, #tpu.memory_space<hbm>>
        %dma_start3A_155 = arith.constant 0 : i32
        %dma_start3A_156 = tpu.memref_slice %arg4[%scan3A_84, %mul3A_2, %dma_start3A_155] : memref<50x4096x128xf32, #tpu.memory_space<hbm>> -> memref<1x128x128xf32, #tpu.memory_space<hbm>>
        %dma_start3A_157 = tpu.memref_squeeze %dma_start3A_156 : memref<1x128x128xf32, #tpu.memory_space<hbm>> -> memref<128x128xf32, #tpu.memory_space<hbm>>
        tpu.enqueue_dma source(%arg6 : memref<128x128xf32, #tpu.memory_space<vmem>>) target(%dma_start3A_157 : memref<128x128xf32, #tpu.memory_space<hbm>>) target_semaphore(%arg18 : memref<!tpu.dma_semaphore, #tpu.memory_space<semaphore_mem>>)
      } else {
      }
      %eq3A_119 = arith.constant 1 : i32
      %eq3A_120 = arith.cmpi eq, %rem3A_86, %eq3A_119 : i32
      %convert_element_type3A_121 = arith.extui %eq3A_120 : i1 to i32
      %cond3A_122 = arith.constant 0 : i32
      %cond3A_123 = arith.cmpi ne, %convert_element_type3A_121, %cond3A_122 : i32
      scf.if %cond3A_123 {
        %dma_start3A_152 = arith.constant 0 : i32
        %dma_start3A_153 = tpu.memref_slice %arg4[%scan3A_84, %mul3A_2, %dma_start3A_152] : memref<50x4096x128xf32, #tpu.memory_space<hbm>> -> memref<1x128x128xf32, #tpu.memory_space<hbm>>
        %dma_start3A_154 = tpu.memref_squeeze %dma_start3A_153 : memref<1x128x128xf32, #tpu.memory_space<hbm>> -> memref<128x128xf32, #tpu.memory_space<hbm>>
        %dma_start3A_155 = arith.constant 0 : i32
        %dma_start3A_156 = tpu.memref_slice %arg4[%scan3A_84, %mul3A_2, %dma_start3A_155] : memref<50x4096x128xf32, #tpu.memory_space<hbm>> -> memref<1x128x128xf32, #tpu.memory_space<hbm>>
        %dma_start3A_157 = tpu.memref_squeeze %dma_start3A_156 : memref<1x128x128xf32, #tpu.memory_space<hbm>> -> memref<128x128xf32, #tpu.memory_space<hbm>>
        tpu.enqueue_dma source(%arg7 : memref<128x128xf32, #tpu.memory_space<vmem>>) target(%dma_start3A_157 : memref<128x128xf32, #tpu.memory_space<hbm>>) target_semaphore(%arg19 : memref<!tpu.dma_semaphore, #tpu.memory_space<semaphore_mem>>)
      } else {
      }
      %eq3A_124 = arith.constant 2 : i32
      %eq3A_125 = arith.cmpi eq, %rem3A_86, %eq3A_124 : i32
      %convert_element_type3A_126 = arith.extui %eq3A_125 : i1 to i32
      %cond3A_127 = arith.constant 0 : i32
      %cond3A_128 = arith.cmpi ne, %convert_element_type3A_126, %cond3A_127 : i32
      scf.if %cond3A_128 {
        %dma_start3A_152 = arith.constant 0 : i32
        %dma_start3A_153 = tpu.memref_slice %arg4[%scan3A_84, %mul3A_2, %dma_start3A_152] : memref<50x4096x128xf32, #tpu.memory_space<hbm>> -> memref<1x128x128xf32, #tpu.memory_space<hbm>>
        %dma_start3A_154 = tpu.memref_squeeze %dma_start3A_153 : memref<1x128x128xf32, #tpu.memory_space<hbm>> -> memref<128x128xf32, #tpu.memory_space<hbm>>
        %dma_start3A_155 = arith.constant 0 : i32
        %dma_start3A_156 = tpu.memref_slice %arg4[%scan3A_84, %mul3A_2, %dma_start3A_155] : memref<50x4096x128xf32, #tpu.memory_space<hbm>> -> memref<1x128x128xf32, #tpu.memory_space<hbm>>
        %dma_start3A_157 = tpu.memref_squeeze %dma_start3A_156 : memref<1x128x128xf32, #tpu.memory_space<hbm>> -> memref<128x128xf32, #tpu.memory_space<hbm>>
        tpu.enqueue_dma source(%arg8 : memref<128x128xf32, #tpu.memory_space<vmem>>) target(%dma_start3A_157 : memref<128x128xf32, #tpu.memory_space<hbm>>) target_semaphore(%arg20 : memref<!tpu.dma_semaphore, #tpu.memory_space<semaphore_mem>>)
      } else {
      }
      %eq3A_129 = arith.constant 3 : i32
      %eq3A_130 = arith.cmpi eq, %rem3A_86, %eq3A_129 : i32
      %convert_element_type3A_131 = arith.extui %eq3A_130 : i1 to i32
      %cond3A_132 = arith.constant 0 : i32
      %cond3A_133 = arith.cmpi ne, %convert_element_type3A_131, %cond3A_132 : i32
      scf.if %cond3A_133 {
        %dma_start3A_152 = arith.constant 0 : i32
        %dma_start3A_153 = tpu.memref_slice %arg4[%scan3A_84, %mul3A_2, %dma_start3A_152] : memref<50x4096x128xf32, #tpu.memory_space<hbm>> -> memref<1x128x128xf32, #tpu.memory_space<hbm>>
        %dma_start3A_154 = tpu.memref_squeeze %dma_start3A_153 : memref<1x128x128xf32, #tpu.memory_space<hbm>> -> memref<128x128xf32, #tpu.memory_space<hbm>>
        %dma_start3A_155 = arith.constant 0 : i32
        %dma_start3A_156 = tpu.memref_slice %arg4[%scan3A_84, %mul3A_2, %dma_start3A_155] : memref<50x4096x128xf32, #tpu.memory_space<hbm>> -> memref<1x128x128xf32, #tpu.memory_space<hbm>>
        %dma_start3A_157 = tpu.memref_squeeze %dma_start3A_156 : memref<1x128x128xf32, #tpu.memory_space<hbm>> -> memref<128x128xf32, #tpu.memory_space<hbm>>
        tpu.enqueue_dma source(%arg9 : memref<128x128xf32, #tpu.memory_space<vmem>>) target(%dma_start3A_157 : memref<128x128xf32, #tpu.memory_space<hbm>>) target_semaphore(%arg21 : memref<!tpu.dma_semaphore, #tpu.memory_space<semaphore_mem>>)
      } else {
      }
      %eq3A_134 = arith.constant 4 : i32
      %eq3A_135 = arith.cmpi eq, %rem3A_86, %eq3A_134 : i32
      %convert_element_type3A_136 = arith.extui %eq3A_135 : i1 to i32
      %cond3A_137 = arith.constant 0 : i32
      %cond3A_138 = arith.cmpi ne, %convert_element_type3A_136, %cond3A_137 : i32
      scf.if %cond3A_138 {
        %dma_start3A_152 = arith.constant 0 : i32
        %dma_start3A_153 = tpu.memref_slice %arg4[%scan3A_84, %mul3A_2, %dma_start3A_152] : memref<50x4096x128xf32, #tpu.memory_space<hbm>> -> memref<1x128x128xf32, #tpu.memory_space<hbm>>
        %dma_start3A_154 = tpu.memref_squeeze %dma_start3A_153 : memref<1x128x128xf32, #tpu.memory_space<hbm>> -> memref<128x128xf32, #tpu.memory_space<hbm>>
        %dma_start3A_155 = arith.constant 0 : i32
        %dma_start3A_156 = tpu.memref_slice %arg4[%scan3A_84, %mul3A_2, %dma_start3A_155] : memref<50x4096x128xf32, #tpu.memory_space<hbm>> -> memref<1x128x128xf32, #tpu.memory_space<hbm>>
        %dma_start3A_157 = tpu.memref_squeeze %dma_start3A_156 : memref<1x128x128xf32, #tpu.memory_space<hbm>> -> memref<128x128xf32, #tpu.memory_space<hbm>>
        tpu.enqueue_dma source(%arg10 : memref<128x128xf32, #tpu.memory_space<vmem>>) target(%dma_start3A_157 : memref<128x128xf32, #tpu.memory_space<hbm>>) target_semaphore(%arg22 : memref<!tpu.dma_semaphore, #tpu.memory_space<semaphore_mem>>)
      } else {
      }
      %eq3A_139 = arith.constant 5 : i32
      %eq3A_140 = arith.cmpi eq, %rem3A_86, %eq3A_139 : i32
      %convert_element_type3A_141 = arith.extui %eq3A_140 : i1 to i32
      %cond3A_142 = arith.constant 0 : i32
      %cond3A_143 = arith.cmpi ne, %convert_element_type3A_141, %cond3A_142 : i32
      scf.if %cond3A_143 {
        %dma_start3A_152 = arith.constant 0 : i32
        %dma_start3A_153 = tpu.memref_slice %arg4[%scan3A_84, %mul3A_2, %dma_start3A_152] : memref<50x4096x128xf32, #tpu.memory_space<hbm>> -> memref<1x128x128xf32, #tpu.memory_space<hbm>>
        %dma_start3A_154 = tpu.memref_squeeze %dma_start3A_153 : memref<1x128x128xf32, #tpu.memory_space<hbm>> -> memref<128x128xf32, #tpu.memory_space<hbm>>
        %dma_start3A_155 = arith.constant 0 : i32
        %dma_start3A_156 = tpu.memref_slice %arg4[%scan3A_84, %mul3A_2, %dma_start3A_155] : memref<50x4096x128xf32, #tpu.memory_space<hbm>> -> memref<1x128x128xf32, #tpu.memory_space<hbm>>
        %dma_start3A_157 = tpu.memref_squeeze %dma_start3A_156 : memref<1x128x128xf32, #tpu.memory_space<hbm>> -> memref<128x128xf32, #tpu.memory_space<hbm>>
        tpu.enqueue_dma source(%arg11 : memref<128x128xf32, #tpu.memory_space<vmem>>) target(%dma_start3A_157 : memref<128x128xf32, #tpu.memory_space<hbm>>) target_semaphore(%arg23 : memref<!tpu.dma_semaphore, #tpu.memory_space<semaphore_mem>>)
      } else {
      }
      %add3A_144 = arith.constant 6 : i32
      %add3A_145 = arith.addi %scan3A_84, %add3A_144 : i32
      %sub3A = arith.constant 1 : i32
      %sub3A_146 = arith.subi %add3A_145, %sub3A : i32
      %lt3A = arith.constant 50 : i32
      %lt3A_147 = arith.cmpi slt, %sub3A_146, %lt3A : i32
      %convert_element_type3A_148 = arith.extui %lt3A_147 : i1 to i32
      %cond3A_149 = arith.constant 0 : i32
      %cond3A_150 = arith.cmpi ne, %convert_element_type3A_148, %cond3A_149 : i32
      scf.if %cond3A_150 {
        %add3A_152 = arith.constant 6 : i32
        %add3A_153 = arith.addi %scan3A_84, %add3A_152 : i32
        %sub3A_154 = arith.constant 1 : i32
        %sub3A_155 = arith.subi %add3A_153, %sub3A_154 : i32
        %rem3A_156 = arith.constant 6 : i32
        %rem3A_157 = arith.remsi %sub3A_155, %rem3A_156 : i32
        %ge3A = arith.constant 1 : i32
        %ge3A_158 = arith.cmpi sge, %scan3A_84, %ge3A : i32
        %convert_element_type3A_159 = arith.extui %ge3A_158 : i1 to i32
        %cond3A_160 = arith.constant 0 : i32
        %cond3A_161 = arith.cmpi ne, %convert_element_type3A_159, %cond3A_160 : i32
        scf.if %cond3A_161 {
          %eq3A_192 = arith.constant 0 : i32
          %eq3A_193 = arith.cmpi eq, %rem3A_157, %eq3A_192 : i32
          %convert_element_type3A_194 = arith.extui %eq3A_193 : i1 to i32
          %cond3A_195 = arith.constant 0 : i32
          %cond3A_196 = arith.cmpi ne, %convert_element_type3A_194, %cond3A_195 : i32
          scf.if %cond3A_196 {
            %sub3A_222 = arith.constant 1 : i32
            %sub3A_223 = arith.subi %scan3A_84, %sub3A_222 : i32
            %dma_wait3A_224 = arith.constant 0 : i32
            %dma_wait3A_225 = tpu.memref_slice %arg4[%sub3A_223, %mul3A_2, %dma_wait3A_224] : memref<50x4096x128xf32, #tpu.memory_space<hbm>> -> memref<1x128x128xf32, #tpu.memory_space<hbm>>
            %dma_wait3A_226 = tpu.memref_squeeze %dma_wait3A_225 : memref<1x128x128xf32, #tpu.memory_space<hbm>> -> memref<128x128xf32, #tpu.memory_space<hbm>>
            %dma_wait3A_227 = arith.constant 0 : i32
            %dma_wait3A_228 = tpu.memref_slice %arg4[%sub3A_223, %mul3A_2, %dma_wait3A_227] : memref<50x4096x128xf32, #tpu.memory_space<hbm>> -> memref<1x128x128xf32, #tpu.memory_space<hbm>>
            %dma_wait3A_229 = tpu.memref_squeeze %dma_wait3A_228 : memref<1x128x128xf32, #tpu.memory_space<hbm>> -> memref<128x128xf32, #tpu.memory_space<hbm>>
            tpu.wait_dma2 semaphore(%arg18 : memref<!tpu.dma_semaphore, #tpu.memory_space<semaphore_mem>>) src(%arg6 : memref<128x128xf32, #tpu.memory_space<vmem>>) dst(%dma_wait3A_229 : memref<128x128xf32, #tpu.memory_space<hbm>>)
          } else {
          }
          %eq3A_197 = arith.constant 1 : i32
          %eq3A_198 = arith.cmpi eq, %rem3A_157, %eq3A_197 : i32
          %convert_element_type3A_199 = arith.extui %eq3A_198 : i1 to i32
          %cond3A_200 = arith.constant 0 : i32
          %cond3A_201 = arith.cmpi ne, %convert_element_type3A_199, %cond3A_200 : i32
          scf.if %cond3A_201 {
            %sub3A_222 = arith.constant 1 : i32
            %sub3A_223 = arith.subi %scan3A_84, %sub3A_222 : i32
            %dma_wait3A_224 = arith.constant 0 : i32
            %dma_wait3A_225 = tpu.memref_slice %arg4[%sub3A_223, %mul3A_2, %dma_wait3A_224] : memref<50x4096x128xf32, #tpu.memory_space<hbm>> -> memref<1x128x128xf32, #tpu.memory_space<hbm>>
            %dma_wait3A_226 = tpu.memref_squeeze %dma_wait3A_225 : memref<1x128x128xf32, #tpu.memory_space<hbm>> -> memref<128x128xf32, #tpu.memory_space<hbm>>
            %dma_wait3A_227 = arith.constant 0 : i32
            %dma_wait3A_228 = tpu.memref_slice %arg4[%sub3A_223, %mul3A_2, %dma_wait3A_227] : memref<50x4096x128xf32, #tpu.memory_space<hbm>> -> memref<1x128x128xf32, #tpu.memory_space<hbm>>
            %dma_wait3A_229 = tpu.memref_squeeze %dma_wait3A_228 : memref<1x128x128xf32, #tpu.memory_space<hbm>> -> memref<128x128xf32, #tpu.memory_space<hbm>>
            tpu.wait_dma2 semaphore(%arg19 : memref<!tpu.dma_semaphore, #tpu.memory_space<semaphore_mem>>) src(%arg7 : memref<128x128xf32, #tpu.memory_space<vmem>>) dst(%dma_wait3A_229 : memref<128x128xf32, #tpu.memory_space<hbm>>)
          } else {
          }
          %eq3A_202 = arith.constant 2 : i32
          %eq3A_203 = arith.cmpi eq, %rem3A_157, %eq3A_202 : i32
          %convert_element_type3A_204 = arith.extui %eq3A_203 : i1 to i32
          %cond3A_205 = arith.constant 0 : i32
          %cond3A_206 = arith.cmpi ne, %convert_element_type3A_204, %cond3A_205 : i32
          scf.if %cond3A_206 {
            %sub3A_222 = arith.constant 1 : i32
            %sub3A_223 = arith.subi %scan3A_84, %sub3A_222 : i32
            %dma_wait3A_224 = arith.constant 0 : i32
            %dma_wait3A_225 = tpu.memref_slice %arg4[%sub3A_223, %mul3A_2, %dma_wait3A_224] : memref<50x4096x128xf32, #tpu.memory_space<hbm>> -> memref<1x128x128xf32, #tpu.memory_space<hbm>>
            %dma_wait3A_226 = tpu.memref_squeeze %dma_wait3A_225 : memref<1x128x128xf32, #tpu.memory_space<hbm>> -> memref<128x128xf32, #tpu.memory_space<hbm>>
            %dma_wait3A_227 = arith.constant 0 : i32
            %dma_wait3A_228 = tpu.memref_slice %arg4[%sub3A_223, %mul3A_2, %dma_wait3A_227] : memref<50x4096x128xf32, #tpu.memory_space<hbm>> -> memref<1x128x128xf32, #tpu.memory_space<hbm>>
            %dma_wait3A_229 = tpu.memref_squeeze %dma_wait3A_228 : memref<1x128x128xf32, #tpu.memory_space<hbm>> -> memref<128x128xf32, #tpu.memory_space<hbm>>
            tpu.wait_dma2 semaphore(%arg20 : memref<!tpu.dma_semaphore, #tpu.memory_space<semaphore_mem>>) src(%arg8 : memref<128x128xf32, #tpu.memory_space<vmem>>) dst(%dma_wait3A_229 : memref<128x128xf32, #tpu.memory_space<hbm>>)
          } else {
          }
          %eq3A_207 = arith.constant 3 : i32
          %eq3A_208 = arith.cmpi eq, %rem3A_157, %eq3A_207 : i32
          %convert_element_type3A_209 = arith.extui %eq3A_208 : i1 to i32
          %cond3A_210 = arith.constant 0 : i32
          %cond3A_211 = arith.cmpi ne, %convert_element_type3A_209, %cond3A_210 : i32
          scf.if %cond3A_211 {
            %sub3A_222 = arith.constant 1 : i32
            %sub3A_223 = arith.subi %scan3A_84, %sub3A_222 : i32
            %dma_wait3A_224 = arith.constant 0 : i32
            %dma_wait3A_225 = tpu.memref_slice %arg4[%sub3A_223, %mul3A_2, %dma_wait3A_224] : memref<50x4096x128xf32, #tpu.memory_space<hbm>> -> memref<1x128x128xf32, #tpu.memory_space<hbm>>
            %dma_wait3A_226 = tpu.memref_squeeze %dma_wait3A_225 : memref<1x128x128xf32, #tpu.memory_space<hbm>> -> memref<128x128xf32, #tpu.memory_space<hbm>>
            %dma_wait3A_227 = arith.constant 0 : i32
            %dma_wait3A_228 = tpu.memref_slice %arg4[%sub3A_223, %mul3A_2, %dma_wait3A_227] : memref<50x4096x128xf32, #tpu.memory_space<hbm>> -> memref<1x128x128xf32, #tpu.memory_space<hbm>>
            %dma_wait3A_229 = tpu.memref_squeeze %dma_wait3A_228 : memref<1x128x128xf32, #tpu.memory_space<hbm>> -> memref<128x128xf32, #tpu.memory_space<hbm>>
            tpu.wait_dma2 semaphore(%arg21 : memref<!tpu.dma_semaphore, #tpu.memory_space<semaphore_mem>>) src(%arg9 : memref<128x128xf32, #tpu.memory_space<vmem>>) dst(%dma_wait3A_229 : memref<128x128xf32, #tpu.memory_space<hbm>>)
          } else {
          }
          %eq3A_212 = arith.constant 4 : i32
          %eq3A_213 = arith.cmpi eq, %rem3A_157, %eq3A_212 : i32
          %convert_element_type3A_214 = arith.extui %eq3A_213 : i1 to i32
          %cond3A_215 = arith.constant 0 : i32
          %cond3A_216 = arith.cmpi ne, %convert_element_type3A_214, %cond3A_215 : i32
          scf.if %cond3A_216 {
            %sub3A_222 = arith.constant 1 : i32
            %sub3A_223 = arith.subi %scan3A_84, %sub3A_222 : i32
            %dma_wait3A_224 = arith.constant 0 : i32
            %dma_wait3A_225 = tpu.memref_slice %arg4[%sub3A_223, %mul3A_2, %dma_wait3A_224] : memref<50x4096x128xf32, #tpu.memory_space<hbm>> -> memref<1x128x128xf32, #tpu.memory_space<hbm>>
            %dma_wait3A_226 = tpu.memref_squeeze %dma_wait3A_225 : memref<1x128x128xf32, #tpu.memory_space<hbm>> -> memref<128x128xf32, #tpu.memory_space<hbm>>
            %dma_wait3A_227 = arith.constant 0 : i32
            %dma_wait3A_228 = tpu.memref_slice %arg4[%sub3A_223, %mul3A_2, %dma_wait3A_227] : memref<50x4096x128xf32, #tpu.memory_space<hbm>> -> memref<1x128x128xf32, #tpu.memory_space<hbm>>
            %dma_wait3A_229 = tpu.memref_squeeze %dma_wait3A_228 : memref<1x128x128xf32, #tpu.memory_space<hbm>> -> memref<128x128xf32, #tpu.memory_space<hbm>>
            tpu.wait_dma2 semaphore(%arg22 : memref<!tpu.dma_semaphore, #tpu.memory_space<semaphore_mem>>) src(%arg10 : memref<128x128xf32, #tpu.memory_space<vmem>>) dst(%dma_wait3A_229 : memref<128x128xf32, #tpu.memory_space<hbm>>)
          } else {
          }
          %eq3A_217 = arith.constant 5 : i32
          %eq3A_218 = arith.cmpi eq, %rem3A_157, %eq3A_217 : i32
          %convert_element_type3A_219 = arith.extui %eq3A_218 : i1 to i32
          %cond3A_220 = arith.constant 0 : i32
          %cond3A_221 = arith.cmpi ne, %convert_element_type3A_219, %cond3A_220 : i32
          scf.if %cond3A_221 {
            %sub3A_222 = arith.constant 1 : i32
            %sub3A_223 = arith.subi %scan3A_84, %sub3A_222 : i32
            %dma_wait3A_224 = arith.constant 0 : i32
            %dma_wait3A_225 = tpu.memref_slice %arg4[%sub3A_223, %mul3A_2, %dma_wait3A_224] : memref<50x4096x128xf32, #tpu.memory_space<hbm>> -> memref<1x128x128xf32, #tpu.memory_space<hbm>>
            %dma_wait3A_226 = tpu.memref_squeeze %dma_wait3A_225 : memref<1x128x128xf32, #tpu.memory_space<hbm>> -> memref<128x128xf32, #tpu.memory_space<hbm>>
            %dma_wait3A_227 = arith.constant 0 : i32
            %dma_wait3A_228 = tpu.memref_slice %arg4[%sub3A_223, %mul3A_2, %dma_wait3A_227] : memref<50x4096x128xf32, #tpu.memory_space<hbm>> -> memref<1x128x128xf32, #tpu.memory_space<hbm>>
            %dma_wait3A_229 = tpu.memref_squeeze %dma_wait3A_228 : memref<1x128x128xf32, #tpu.memory_space<hbm>> -> memref<128x128xf32, #tpu.memory_space<hbm>>
            tpu.wait_dma2 semaphore(%arg23 : memref<!tpu.dma_semaphore, #tpu.memory_space<semaphore_mem>>) src(%arg11 : memref<128x128xf32, #tpu.memory_space<vmem>>) dst(%dma_wait3A_229 : memref<128x128xf32, #tpu.memory_space<hbm>>)
          } else {
          }
        } else {
        }
        %eq3A_162 = arith.constant 0 : i32
        %eq3A_163 = arith.cmpi eq, %rem3A_157, %eq3A_162 : i32
        %convert_element_type3A_164 = arith.extui %eq3A_163 : i1 to i32
        %cond3A_165 = arith.constant 0 : i32
        %cond3A_166 = arith.cmpi ne, %convert_element_type3A_164, %cond3A_165 : i32
        scf.if %cond3A_166 {
          %add3A_192 = arith.constant 6 : i32
          %add3A_193 = arith.addi %scan3A_84, %add3A_192 : i32
          %sub3A_194 = arith.constant 1 : i32
          %sub3A_195 = arith.subi %add3A_193, %sub3A_194 : i32
          %dma_start3A_196 = arith.constant 0 : i32
          %dma_start3A_197 = tpu.memref_slice %arg5[%sub3A_195, %dma_start3A_196] : memref<50x128xi32, #tpu.memory_space<vmem>> -> memref<1x128xi32, #tpu.memory_space<vmem>>
          %dma_start3A_198 = tpu.memref_squeeze %dma_start3A_197 : memref<1x128xi32, #tpu.memory_space<vmem>> -> memref<128xi32, #tpu.memory_space<vmem>>
          %dma_start3A_199 = arith.constant 0 : i32
          %dma_start3A_200 = arith.constant 0 : i32
          %dma_start3A_201 = tpu.memref_slice %arg2[%dma_start3A_199, %dma_start3A_200] : memref<100000x128xf32, #tpu.memory_space<hbm>> -> memref<100000x128xf32, #tpu.memory_space<hbm>>
          tpu.enqueue_indirect_dma source(%dma_start3A_201 : memref<100000x128xf32, #tpu.memory_space<hbm>>) target(%arg6 : memref<128x128xf32, #tpu.memory_space<vmem>>) offsets(%dma_start3A_198 : memref<128xi32, #tpu.memory_space<vmem>>) semaphore(%arg12 : memref<!tpu.dma_semaphore, #tpu.memory_space<semaphore_mem>>)
        } else {
        }
        %eq3A_167 = arith.constant 1 : i32
        %eq3A_168 = arith.cmpi eq, %rem3A_157, %eq3A_167 : i32
        %convert_element_type3A_169 = arith.extui %eq3A_168 : i1 to i32
        %cond3A_170 = arith.constant 0 : i32
        %cond3A_171 = arith.cmpi ne, %convert_element_type3A_169, %cond3A_170 : i32
        scf.if %cond3A_171 {
          %add3A_192 = arith.constant 6 : i32
          %add3A_193 = arith.addi %scan3A_84, %add3A_192 : i32
          %sub3A_194 = arith.constant 1 : i32
          %sub3A_195 = arith.subi %add3A_193, %sub3A_194 : i32
          %dma_start3A_196 = arith.constant 0 : i32
          %dma_start3A_197 = tpu.memref_slice %arg5[%sub3A_195, %dma_start3A_196] : memref<50x128xi32, #tpu.memory_space<vmem>> -> memref<1x128xi32, #tpu.memory_space<vmem>>
          %dma_start3A_198 = tpu.memref_squeeze %dma_start3A_197 : memref<1x128xi32, #tpu.memory_space<vmem>> -> memref<128xi32, #tpu.memory_space<vmem>>
          %dma_start3A_199 = arith.constant 0 : i32
          %dma_start3A_200 = arith.constant 0 : i32
          %dma_start3A_201 = tpu.memref_slice %arg2[%dma_start3A_199, %dma_start3A_200] : memref<100000x128xf32, #tpu.memory_space<hbm>> -> memref<100000x128xf32, #tpu.memory_space<hbm>>
          tpu.enqueue_indirect_dma source(%dma_start3A_201 : memref<100000x128xf32, #tpu.memory_space<hbm>>) target(%arg7 : memref<128x128xf32, #tpu.memory_space<vmem>>) offsets(%dma_start3A_198 : memref<128xi32, #tpu.memory_space<vmem>>) semaphore(%arg13 : memref<!tpu.dma_semaphore, #tpu.memory_space<semaphore_mem>>)
        } else {
        }
        %eq3A_172 = arith.constant 2 : i32
        %eq3A_173 = arith.cmpi eq, %rem3A_157, %eq3A_172 : i32
        %convert_element_type3A_174 = arith.extui %eq3A_173 : i1 to i32
        %cond3A_175 = arith.constant 0 : i32
        %cond3A_176 = arith.cmpi ne, %convert_element_type3A_174, %cond3A_175 : i32
        scf.if %cond3A_176 {
          %add3A_192 = arith.constant 6 : i32
          %add3A_193 = arith.addi %scan3A_84, %add3A_192 : i32
          %sub3A_194 = arith.constant 1 : i32
          %sub3A_195 = arith.subi %add3A_193, %sub3A_194 : i32
          %dma_start3A_196 = arith.constant 0 : i32
          %dma_start3A_197 = tpu.memref_slice %arg5[%sub3A_195, %dma_start3A_196] : memref<50x128xi32, #tpu.memory_space<vmem>> -> memref<1x128xi32, #tpu.memory_space<vmem>>
          %dma_start3A_198 = tpu.memref_squeeze %dma_start3A_197 : memref<1x128xi32, #tpu.memory_space<vmem>> -> memref<128xi32, #tpu.memory_space<vmem>>
          %dma_start3A_199 = arith.constant 0 : i32
          %dma_start3A_200 = arith.constant 0 : i32
          %dma_start3A_201 = tpu.memref_slice %arg2[%dma_start3A_199, %dma_start3A_200] : memref<100000x128xf32, #tpu.memory_space<hbm>> -> memref<100000x128xf32, #tpu.memory_space<hbm>>
          tpu.enqueue_indirect_dma source(%dma_start3A_201 : memref<100000x128xf32, #tpu.memory_space<hbm>>) target(%arg8 : memref<128x128xf32, #tpu.memory_space<vmem>>) offsets(%dma_start3A_198 : memref<128xi32, #tpu.memory_space<vmem>>) semaphore(%arg14 : memref<!tpu.dma_semaphore, #tpu.memory_space<semaphore_mem>>)
        } else {
        }
        %eq3A_177 = arith.constant 3 : i32
        %eq3A_178 = arith.cmpi eq, %rem3A_157, %eq3A_177 : i32
        %convert_element_type3A_179 = arith.extui %eq3A_178 : i1 to i32
        %cond3A_180 = arith.constant 0 : i32
        %cond3A_181 = arith.cmpi ne, %convert_element_type3A_179, %cond3A_180 : i32
        scf.if %cond3A_181 {
          %add3A_192 = arith.constant 6 : i32
          %add3A_193 = arith.addi %scan3A_84, %add3A_192 : i32
          %sub3A_194 = arith.constant 1 : i32
          %sub3A_195 = arith.subi %add3A_193, %sub3A_194 : i32
          %dma_start3A_196 = arith.constant 0 : i32
          %dma_start3A_197 = tpu.memref_slice %arg5[%sub3A_195, %dma_start3A_196] : memref<50x128xi32, #tpu.memory_space<vmem>> -> memref<1x128xi32, #tpu.memory_space<vmem>>
          %dma_start3A_198 = tpu.memref_squeeze %dma_start3A_197 : memref<1x128xi32, #tpu.memory_space<vmem>> -> memref<128xi32, #tpu.memory_space<vmem>>
          %dma_start3A_199 = arith.constant 0 : i32
          %dma_start3A_200 = arith.constant 0 : i32
          %dma_start3A_201 = tpu.memref_slice %arg2[%dma_start3A_199, %dma_start3A_200] : memref<100000x128xf32, #tpu.memory_space<hbm>> -> memref<100000x128xf32, #tpu.memory_space<hbm>>
          tpu.enqueue_indirect_dma source(%dma_start3A_201 : memref<100000x128xf32, #tpu.memory_space<hbm>>) target(%arg9 : memref<128x128xf32, #tpu.memory_space<vmem>>) offsets(%dma_start3A_198 : memref<128xi32, #tpu.memory_space<vmem>>) semaphore(%arg15 : memref<!tpu.dma_semaphore, #tpu.memory_space<semaphore_mem>>)
        } else {
        }
        %eq3A_182 = arith.constant 4 : i32
        %eq3A_183 = arith.cmpi eq, %rem3A_157, %eq3A_182 : i32
        %convert_element_type3A_184 = arith.extui %eq3A_183 : i1 to i32
        %cond3A_185 = arith.constant 0 : i32
        %cond3A_186 = arith.cmpi ne, %convert_element_type3A_184, %cond3A_185 : i32
        scf.if %cond3A_186 {
          %add3A_192 = arith.constant 6 : i32
          %add3A_193 = arith.addi %scan3A_84, %add3A_192 : i32
          %sub3A_194 = arith.constant 1 : i32
          %sub3A_195 = arith.subi %add3A_193, %sub3A_194 : i32
          %dma_start3A_196 = arith.constant 0 : i32
          %dma_start3A_197 = tpu.memref_slice %arg5[%sub3A_195, %dma_start3A_196] : memref<50x128xi32, #tpu.memory_space<vmem>> -> memref<1x128xi32, #tpu.memory_space<vmem>>
          %dma_start3A_198 = tpu.memref_squeeze %dma_start3A_197 : memref<1x128xi32, #tpu.memory_space<vmem>> -> memref<128xi32, #tpu.memory_space<vmem>>
          %dma_start3A_199 = arith.constant 0 : i32
          %dma_start3A_200 = arith.constant 0 : i32
          %dma_start3A_201 = tpu.memref_slice %arg2[%dma_start3A_199, %dma_start3A_200] : memref<100000x128xf32, #tpu.memory_space<hbm>> -> memref<100000x128xf32, #tpu.memory_space<hbm>>
          tpu.enqueue_indirect_dma source(%dma_start3A_201 : memref<100000x128xf32, #tpu.memory_space<hbm>>) target(%arg10 : memref<128x128xf32, #tpu.memory_space<vmem>>) offsets(%dma_start3A_198 : memref<128xi32, #tpu.memory_space<vmem>>) semaphore(%arg16 : memref<!tpu.dma_semaphore, #tpu.memory_space<semaphore_mem>>)
        } else {
        }
        %eq3A_187 = arith.constant 5 : i32
        %eq3A_188 = arith.cmpi eq, %rem3A_157, %eq3A_187 : i32
        %convert_element_type3A_189 = arith.extui %eq3A_188 : i1 to i32
        %cond3A_190 = arith.constant 0 : i32
        %cond3A_191 = arith.cmpi ne, %convert_element_type3A_189, %cond3A_190 : i32
        scf.if %cond3A_191 {
          %add3A_192 = arith.constant 6 : i32
          %add3A_193 = arith.addi %scan3A_84, %add3A_192 : i32
          %sub3A_194 = arith.constant 1 : i32
          %sub3A_195 = arith.subi %add3A_193, %sub3A_194 : i32
          %dma_start3A_196 = arith.constant 0 : i32
          %dma_start3A_197 = tpu.memref_slice %arg5[%sub3A_195, %dma_start3A_196] : memref<50x128xi32, #tpu.memory_space<vmem>> -> memref<1x128xi32, #tpu.memory_space<vmem>>
          %dma_start3A_198 = tpu.memref_squeeze %dma_start3A_197 : memref<1x128xi32, #tpu.memory_space<vmem>> -> memref<128xi32, #tpu.memory_space<vmem>>
          %dma_start3A_199 = arith.constant 0 : i32
          %dma_start3A_200 = arith.constant 0 : i32
          %dma_start3A_201 = tpu.memref_slice %arg2[%dma_start3A_199, %dma_start3A_200] : memref<100000x128xf32, #tpu.memory_space<hbm>> -> memref<100000x128xf32, #tpu.memory_space<hbm>>
          tpu.enqueue_indirect_dma source(%dma_start3A_201 : memref<100000x128xf32, #tpu.memory_space<hbm>>) target(%arg11 : memref<128x128xf32, #tpu.memory_space<vmem>>) offsets(%dma_start3A_198 : memref<128xi32, #tpu.memory_space<vmem>>) semaphore(%arg17 : memref<!tpu.dma_semaphore, #tpu.memory_space<semaphore_mem>>)
        } else {
        }
      } else {
      }
      %scan3A_151 = arith.constant 0 : i32
      scf.yield %scan3A_151 : i32
    }
    %scan3A_42 = arith.constant 50 : i32
    %dma_wait3A = arith.constant 44 : i32
    %dma_wait3A_43 = arith.constant 0 : i32
    %dma_wait3A_44 = tpu.memref_slice %arg4[%dma_wait3A, %mul3A_2, %dma_wait3A_43] : memref<50x4096x128xf32, #tpu.memory_space<hbm>> -> memref<1x128x128xf32, #tpu.memory_space<hbm>>
    %dma_wait3A_45 = tpu.memref_squeeze %dma_wait3A_44 : memref<1x128x128xf32, #tpu.memory_space<hbm>> -> memref<128x128xf32, #tpu.memory_space<hbm>>
    %dma_wait3A_46 = arith.constant 0 : i32
    %dma_wait3A_47 = tpu.memref_slice %arg4[%dma_wait3A, %mul3A_2, %dma_wait3A_46] : memref<50x4096x128xf32, #tpu.memory_space<hbm>> -> memref<1x128x128xf32, #tpu.memory_space<hbm>>
    %dma_wait3A_48 = tpu.memref_squeeze %dma_wait3A_47 : memref<1x128x128xf32, #tpu.memory_space<hbm>> -> memref<128x128xf32, #tpu.memory_space<hbm>>
    tpu.wait_dma2 semaphore(%arg20 : memref<!tpu.dma_semaphore, #tpu.memory_space<semaphore_mem>>) src(%arg8 : memref<128x128xf32, #tpu.memory_space<vmem>>) dst(%dma_wait3A_48 : memref<128x128xf32, #tpu.memory_space<hbm>>)
    %dma_wait3A_49 = arith.constant 45 : i32
    %dma_wait3A_50 = arith.constant 0 : i32
    %dma_wait3A_51 = tpu.memref_slice %arg4[%dma_wait3A_49, %mul3A_2, %dma_wait3A_50] : memref<50x4096x128xf32, #tpu.memory_space<hbm>> -> memref<1x128x128xf32, #tpu.memory_space<hbm>>
    %dma_wait3A_52 = tpu.memref_squeeze %dma_wait3A_51 : memref<1x128x128xf32, #tpu.memory_space<hbm>> -> memref<128x128xf32, #tpu.memory_space<hbm>>
    %dma_wait3A_53 = arith.constant 0 : i32
    %dma_wait3A_54 = tpu.memref_slice %arg4[%dma_wait3A_49, %mul3A_2, %dma_wait3A_53] : memref<50x4096x128xf32, #tpu.memory_space<hbm>> -> memref<1x128x128xf32, #tpu.memory_space<hbm>>
    %dma_wait3A_55 = tpu.memref_squeeze %dma_wait3A_54 : memref<1x128x128xf32, #tpu.memory_space<hbm>> -> memref<128x128xf32, #tpu.memory_space<hbm>>
    tpu.wait_dma2 semaphore(%arg21 : memref<!tpu.dma_semaphore, #tpu.memory_space<semaphore_mem>>) src(%arg9 : memref<128x128xf32, #tpu.memory_space<vmem>>) dst(%dma_wait3A_55 : memref<128x128xf32, #tpu.memory_space<hbm>>)
    %dma_wait3A_56 = arith.constant 46 : i32
    %dma_wait3A_57 = arith.constant 0 : i32
    %dma_wait3A_58 = tpu.memref_slice %arg4[%dma_wait3A_56, %mul3A_2, %dma_wait3A_57] : memref<50x4096x128xf32, #tpu.memory_space<hbm>> -> memref<1x128x128xf32, #tpu.memory_space<hbm>>
    %dma_wait3A_59 = tpu.memref_squeeze %dma_wait3A_58 : memref<1x128x128xf32, #tpu.memory_space<hbm>> -> memref<128x128xf32, #tpu.memory_space<hbm>>
    %dma_wait3A_60 = arith.constant 0 : i32
    %dma_wait3A_61 = tpu.memref_slice %arg4[%dma_wait3A_56, %mul3A_2, %dma_wait3A_60] : memref<50x4096x128xf32, #tpu.memory_space<hbm>> -> memref<1x128x128xf32, #tpu.memory_space<hbm>>
    %dma_wait3A_62 = tpu.memref_squeeze %dma_wait3A_61 : memref<1x128x128xf32, #tpu.memory_space<hbm>> -> memref<128x128xf32, #tpu.memory_space<hbm>>
    tpu.wait_dma2 semaphore(%arg22 : memref<!tpu.dma_semaphore, #tpu.memory_space<semaphore_mem>>) src(%arg10 : memref<128x128xf32, #tpu.memory_space<vmem>>) dst(%dma_wait3A_62 : memref<128x128xf32, #tpu.memory_space<hbm>>)
    %dma_wait3A_63 = arith.constant 47 : i32
    %dma_wait3A_64 = arith.constant 0 : i32
    %dma_wait3A_65 = tpu.memref_slice %arg4[%dma_wait3A_63, %mul3A_2, %dma_wait3A_64] : memref<50x4096x128xf32, #tpu.memory_space<hbm>> -> memref<1x128x128xf32, #tpu.memory_space<hbm>>
    %dma_wait3A_66 = tpu.memref_squeeze %dma_wait3A_65 : memref<1x128x128xf32, #tpu.memory_space<hbm>> -> memref<128x128xf32, #tpu.memory_space<hbm>>
    %dma_wait3A_67 = arith.constant 0 : i32
    %dma_wait3A_68 = tpu.memref_slice %arg4[%dma_wait3A_63, %mul3A_2, %dma_wait3A_67] : memref<50x4096x128xf32, #tpu.memory_space<hbm>> -> memref<1x128x128xf32, #tpu.memory_space<hbm>>
    %dma_wait3A_69 = tpu.memref_squeeze %dma_wait3A_68 : memref<1x128x128xf32, #tpu.memory_space<hbm>> -> memref<128x128xf32, #tpu.memory_space<hbm>>
    tpu.wait_dma2 semaphore(%arg23 : memref<!tpu.dma_semaphore, #tpu.memory_space<semaphore_mem>>) src(%arg11 : memref<128x128xf32, #tpu.memory_space<vmem>>) dst(%dma_wait3A_69 : memref<128x128xf32, #tpu.memory_space<hbm>>)
    %dma_wait3A_70 = arith.constant 48 : i32
    %dma_wait3A_71 = arith.constant 0 : i32
    %dma_wait3A_72 = tpu.memref_slice %arg4[%dma_wait3A_70, %mul3A_2, %dma_wait3A_71] : memref<50x4096x128xf32, #tpu.memory_space<hbm>> -> memref<1x128x128xf32, #tpu.memory_space<hbm>>
    %dma_wait3A_73 = tpu.memref_squeeze %dma_wait3A_72 : memref<1x128x128xf32, #tpu.memory_space<hbm>> -> memref<128x128xf32, #tpu.memory_space<hbm>>
    %dma_wait3A_74 = arith.constant 0 : i32
    %dma_wait3A_75 = tpu.memref_slice %arg4[%dma_wait3A_70, %mul3A_2, %dma_wait3A_74] : memref<50x4096x128xf32, #tpu.memory_space<hbm>> -> memref<1x128x128xf32, #tpu.memory_space<hbm>>
    %dma_wait3A_76 = tpu.memref_squeeze %dma_wait3A_75 : memref<1x128x128xf32, #tpu.memory_space<hbm>> -> memref<128x128xf32, #tpu.memory_space<hbm>>
    tpu.wait_dma2 semaphore(%arg18 : memref<!tpu.dma_semaphore, #tpu.memory_space<semaphore_mem>>) src(%arg6 : memref<128x128xf32, #tpu.memory_space<vmem>>) dst(%dma_wait3A_76 : memref<128x128xf32, #tpu.memory_space<hbm>>)
    %dma_wait3A_77 = arith.constant 49 : i32
    %dma_wait3A_78 = arith.constant 0 : i32
    %dma_wait3A_79 = tpu.memref_slice %arg4[%dma_wait3A_77, %mul3A_2, %dma_wait3A_78] : memref<50x4096x128xf32, #tpu.memory_space<hbm>> -> memref<1x128x128xf32, #tpu.memory_space<hbm>>
    %dma_wait3A_80 = tpu.memref_squeeze %dma_wait3A_79 : memref<1x128x128xf32, #tpu.memory_space<hbm>> -> memref<128x128xf32, #tpu.memory_space<hbm>>
    %dma_wait3A_81 = arith.constant 0 : i32
    %dma_wait3A_82 = tpu.memref_slice %arg4[%dma_wait3A_77, %mul3A_2, %dma_wait3A_81] : memref<50x4096x128xf32, #tpu.memory_space<hbm>> -> memref<1x128x128xf32, #tpu.memory_space<hbm>>
    %dma_wait3A_83 = tpu.memref_squeeze %dma_wait3A_82 : memref<1x128x128xf32, #tpu.memory_space<hbm>> -> memref<128x128xf32, #tpu.memory_space<hbm>>
    tpu.wait_dma2 semaphore(%arg19 : memref<!tpu.dma_semaphore, #tpu.memory_space<semaphore_mem>>) src(%arg7 : memref<128x128xf32, #tpu.memory_space<vmem>>) dst(%dma_wait3A_83 : memref<128x128xf32, #tpu.memory_space<hbm>>)
    return
  }
}

module attributes {stable_mosaic.version = 14 : i64} {
  func.func @_matmul_body(%arg0: i32, %arg1: memref<5000x512xf32, #tpu.memory_space<vmem>>, %arg2: memref<512x128xf32, #tpu.memory_space<vmem>>, %arg3: memref<5000x128xf32, #tpu.memory_space<vmem>>) attributes {dimension_semantics = [#tpu.dimension_semantics<arbitrary>], iteration_bounds = array<i64: 20>, scalar_prefetch = 0 : i64, scratch_operands = 0 : i64, tpu.core_type = #tpu.core_type<tc>, window_params = [{transform_indices = @transform_0, window_bounds = array<i64: 5000, 512>}, {pipeline_mode = #tpu.pipeline_mode<synchronous>, transform_indices = @transform_1, window_bounds = array<i64: 512, 128>}, {transform_indices = @transform_2, window_bounds = array<i64: 5000, 128>}]} {
    %get3A = arith.constant 0 : index
    %get3A_0 = arith.constant 0 : index
    %get3A_1 = vector.load %arg1[%get3A, %get3A_0] : memref<5000x512xf32, #tpu.memory_space<vmem>>, vector<5000x512xf32>
    %get3A_2 = arith.constant 0 : index
    %get3A_3 = arith.constant 0 : index
    %get3A_4 = vector.load %arg2[%get3A_2, %get3A_3] : memref<512x128xf32, #tpu.memory_space<vmem>>, vector<512x128xf32>
    %dot_general3A = arith.constant dense<0.000000e+00> : vector<5000x128xf32>
    %dot_general3A_5 = tpu.matmul %get3A_1, %get3A_4, %dot_general3A {dimension_numbers = #tpu.dot_dimension_numbers<[1], [0], [0], [1], [0, 0, 1, 1], [], []>, transpose_lhs_hint = false} : vector<5000x512xf32>, vector<512x128xf32>, vector<5000x128xf32> -> vector<5000x128xf32>
    %swap3A = arith.constant 0 : index
    %swap3A_6 = arith.constant 0 : index
    %swap3A_7 = vector.load %arg3[%swap3A, %swap3A_6] : memref<5000x128xf32, #tpu.memory_space<vmem>>, vector<5000x128xf32>
    tpu.vector_store %arg3[%swap3A, %swap3A_6], %dot_general3A_5 {strides = array<i32>} : memref<5000x128xf32, #tpu.memory_space<vmem>>, vector<5000x128xf32>,
    return
  }
  func.func @transform_0(%arg0: i32) -> (i32, i32) {
    %c0_i32 = arith.constant 0 : i32
    %c0_i32_0 = arith.constant 0 : i32
    return %arg0, %c0_i32 : i32, i32
  }
  func.func @transform_1(%arg0: i32) -> (i32, i32) {
    %c0_i32 = arith.constant 0 : i32
    %c0_i32_0 = arith.constant 0 : i32
    %c0_i32_1 = arith.constant 0 : i32
    return %c0_i32, %c0_i32_0 : i32, i32
  }
  func.func @transform_2(%arg0: i32) -> (i32, i32) {
    %c0_i32 = arith.constant 0 : i32
    %c0_i32_0 = arith.constant 0 : i32
    return %arg0, %c0_i32 : i32, i32
  }
}

</mosaic_0001>

<sc_bundles>
// kernel: kernel.4.cloned.1.call-start
scs
__scs_entry_jumppad:
0x0: {  	(pc) =	sbr.rel $0x88, $3  }
0x1: {  	(tag) =	ssettag $0x0;
	lr =	simm.s32 $0x1  }
0x2: {  	[smem:$0x3F9E] =	sst lr;
	_ =	strace $0xD0000000  }
0x3: {  	_ = 	snop  }
0x4: {  	_ = 	snop  }
0x5: {  	_ = 	snop  }
0x6: {  	_ = 	snop  }
0x7: {  	_ = 	snop  }
__scs_overlays_trampoline_lowered:
0x8: {  	[smem:$0x3FAD] =	sst s0  }
0x9: {  	[smem:$0x3FAE] =	sst s1  }
0xa: {  	[smem:$0x3FAF] =	sst s2  }
0xb: {  	[smem:$0x3FB0] =	sst s3  }
0xc: {  	[smem:$0x3FB1] =	sst s4  }
0xd: {  	[smem:$0x3FB2] =	sst s5  }
0xe: {  	[smem:$0x3FB3] =	sst s6  }
0xf: {  	[smem:$0x3FB4] =	sst s7  }
0x10: {  	[smem:$0x3FB5] =	sst s8  }
0x11: {  	[smem:$0x3FB6] =	sst s9;
	s0 =	simm.s32 @!p0 $0x0  }
0x12: {  	s1 =	sld [smem:$0x3F9C];
	s0 =	simm.s32 @p0 $0x1  }
0x13: {  	[smem:$0x3FB7] =	sst s0;
	s0 =	simm.s32 @!p1 $0x0  }
0x14: {  	s2 =	sld [smem:$0x3F9B];
	s0 =	simm.s32 @p1 $0x1  }
0x15: {  	[smem:$0x3FB8] =	sst s0;
	s0 =	simm.s32 @!p2 $0x0  }
0x16: {  	s3 =	sld [smem:$0x3FDB];
	s0 =	simm.s32 @p2 $0x1  }
0x17: {  	s4 =	simm.s32 $0x1BF5;
	[smem:$0x3FBA] =	sst s0  }
0x18: {  	s0 =	sld [smem:$0x3F9D];
	_ =	swait.ge [sflag:s4], $0x0  }
0x19: {  	s7 =	sld [smem:$0x3F9E]  }
0x1a: {  	s8 =	sadd.s32 $0xFFFFE003, lr  }
0x1b: {  	s9 =	sadd.s32 $0xFFFFFEF7, lr;
	s5 =	simm.s32 $0xFFFFFFFF;
	p2 =	slt.u32 s8, $0xFFFFF086  }
0x1c: {  	p1 =	slt.u32 s9, $0xF7A;
	s5 =	simm.s32 @!p2 $0x0  }
0x1d: {  	s5 =	simm.s32 @p1 $0x1;
	p0 =	seq.s32 s7, s2  }
0x1e: {  	s7 =	smul.u32 @!p0 $0xF7A, s2;
	p2 =	seq.s32 @!p0 s5, $0x0  }
0x1f: {  	s9 =	smul.u32 $0xF7A, s1;
	s8 =	simm.s32 @!p0 $0x1BF5;
	p2 =	por !p2, p0  }
0x20: {  	[sflag:s8] =	ssyncset.s32 @!p0 $0xFFFFF086;
	s6 =	sadd.s32 @!p0 s3, s7;
	s7 =	simm.s32 @!p0 $0x108  }
0x21: {  	s3 =	sadd.s32 s3, s9;
	s6 =	sadd.s32 @!p0 $0x88, s6;
	s7 =	simm.s32 @p2 $0x1082  }
0x22: {  	[simem:s7], [sflag:s8] =	dma.local @!p0 [hbm:s6], $0xF7A  }
0x23: {  	s9 =	sor.u32 $0xD0000000, s2;
	s6 =	simm.s32 $0x108;
	_ =	swait.ge @!p0 [sflag:s8], $0x0  }
0x24: {  	s3 =	sadd.s32 $0x88, s3;
	s6 =	simm.s32 @!p1 $0x1082;
	[sflag:s4] =	ssyncset.s32 $0xFFFFF086  }
0x25: {  	[simem:s6], [sflag:s4] =	dma.local [hbm:s3], $0xF7A  }
0x26: {  	[smem:$0x3F9E] =	sst s1;
	(tag) =	ssettag s2;
	_ =	strace s9  }
0x27: {  	s1 =	sld [smem:$0x3FAE]  }
0x28: {  	s2 =	sld [smem:$0x3FAF]  }
0x29: {  	s4 =	sld [smem:$0x3FB1]  }
0x2a: {  	p0 =	seq.s32 s5, $0x0;
	s5 =	sld [smem:$0x3FB2]  }
0x2b: {  	s6 =	sld [smem:$0x3FB3]  }
0x2c: {  	s7 =	sld [smem:$0x3FB4]  }
0x2d: {  	s3 =	simm.s32 $0x108;
	s8 =	sld [smem:$0x3FB5]  }
0x2e: {  	s3 =	simm.s32 @!p0 $0x1082;
	s9 =	sld [smem:$0x3FB6]  }
0x2f: {  	lr =	sadd.s32 s0, s3;
	s0 =	sld [smem:$0x3FAD]  }
0x30: {  	s3 =	sld [smem:$0x3FB0]  }
0x31: {  	[smem:$0x3FB9] =	sst s10  }
0x32: {  	s10 =	sld [smem:$0x3FB7];
	_ =	sdelay $0x3  }
0x33: {  	p0 =	seq.s32 s10, $0x1;
	s10 =	sld [smem:$0x3FB9];
	_ =	sdelay $0x3  }
0x34: {  	[smem:$0x3FB9] =	sst s10  }
0x35: {  	s10 =	sld [smem:$0x3FB8];
	_ =	sdelay $0x3  }
0x36: {  	p1 =	seq.s32 s10, $0x1;
	s10 =	sld [smem:$0x3FB9];
	_ =	sdelay $0x3  }
0x37: {  	[smem:$0x3FB9] =	sst s10  }
0x38: {  	s10 =	sld [smem:$0x3FBA]  }
0x39: {  	_ = 	snop;
	(pc) =	sbr.ind lr, $3  }
0x3a: {  	_ = 	snop  }
0x3b: {  	_ = 	snop  }
0x3c: {  	p2 =	seq.s32 s10, $0x1;
	s10 =	sld [smem:$0x3FB9]  }
0x3d: {  	_ =	shalt  }
0x3e: {  	_ =	shalt  }
0x3f: {  	_ =	shalt  }
0x40: {  	_ =	shalt  }
0x41: {  	_ =	shalt  }
0x42: {  	_ =	shalt  }
0x43: {  	_ =	shalt  }
0x44: {  	_ =	shalt  }
0x45: {  	_ =	shalt  }
0x46: {  	_ =	shalt  }
0x47: {  	_ =	shalt  }
0x48: {  	_ =	shalt  }
0x49: {  	_ =	shalt  }
0x4a: {  	_ =	shalt  }
0x4b: {  	_ =	shalt  }
0x4c: {  	_ =	shalt  }
0x4d: {  	_ =	shalt  }
0x4e: {  	_ =	shalt  }
0x4f: {  	_ =	shalt  }
0x50: {  	_ =	shalt  }
0x51: {  	_ =	shalt  }
0x52: {  	_ =	shalt  }
0x53: {  	_ =	shalt  }
0x54: {  	_ =	shalt  }
0x55: {  	_ =	shalt  }
0x56: {  	_ =	shalt  }
0x57: {  	_ =	shalt  }
0x58: {  	_ =	shalt  }
0x59: {  	_ =	shalt  }
0x5a: {  	_ =	shalt  }
0x5b: {  	_ =	shalt  }
0x5c: {  	_ =	shalt  }
0x5d: {  	_ =	shalt  }
0x5e: {  	_ =	shalt  }
0x5f: {  	_ =	shalt  }
0x60: {  	_ =	shalt  }
0x61: {  	_ =	shalt  }
0x62: {  	_ =	shalt  }
0x63: {  	_ =	shalt  }
0x64: {  	_ =	shalt  }
0x65: {  	_ =	shalt  }
0x66: {  	_ =	shalt  }
0x67: {  	_ =	shalt  }
0x68: {  	_ =	shalt  }
0x69: {  	_ =	shalt  }
0x6a: {  	_ =	shalt  }
0x6b: {  	_ =	shalt  }
0x6c: {  	_ =	shalt  }
0x6d: {  	_ =	shalt  }
0x6e: {  	_ =	shalt  }
0x6f: {  	_ =	shalt  }
0x70: {  	_ =	shalt  }
0x71: {  	_ =	shalt  }
0x72: {  	_ =	shalt  }
0x73: {  	_ =	shalt  }
0x74: {  	_ =	shalt  }
0x75: {  	_ =	shalt  }
0x76: {  	_ =	shalt  }
0x77: {  	_ =	shalt  }
0x78: {  	_ =	shalt  }
0x79: {  	_ =	shalt  }
0x7a: {  	_ =	shalt  }
0x7b: {  	_ =	shalt  }
0x7c: {  	_ =	shalt  }
0x7d: {  	_ =	shalt  }
0x7e: {  	_ =	shalt  }
0x7f: {  	_ =	shalt  }
0x80: {  	_ =	shalt  }
0x81: {  	_ =	shalt  }
0x82: {  	_ =	shalt  }
0x83: {  	_ =	shalt  }
0x84: {  	_ =	shalt  }
0x85: {  	_ =	shalt  }
0x86: {  	_ =	shalt  }
0x87: {  	_ =	shalt  }
.Lfunc_end0:
.L_simem_size_0:
called_computation_lowered:
.L_overlay_start_0:
0x88: {  	s2 =	sld [smem:$0x3FD9]  }
0x89: {  	s3 =	sld [smem:$0x3FFE];
	_ =	sdelay $0x1  }
0x8a: {  	s1 =	srdreg.scid  }
0x8b: {  	s0 =	sand.u32 $0x1, s1  }
0x8c: {  	s17 =	sshll.u32 s0, $0xA;
	s2 =	sadd.s32 s3, s2  }
0x8d: {  	s2 =	sadd.s32 s2, s17  }
0x8e: {  	[smem:$0x3FC5] =	sst s2  }
0x8f: {  	_ = 	snop  }
0x90: {  	s2 =	sld [smem:$0x3FD0];
	(tm) =	ssettm $0x1  }
0x91: {  	s18 =	sld [smem:$0x3FFB];
	_ =	sdelay $0x3  }
0x92: {  	_ =	strace s18  }
0x93: {  	s3 =	sld [smem:$0x3FFC];
	_ =	sdelay $0x3  }
0x94: {  	_ =	strace s3  }
0x95: {  	s3 =	sld [smem:$0x3FFD];
	_ =	sdelay $0x3  }
0x96: {  	_ =	strace s3  }
0x97: {  	_ =	strace $0x8FFFFFFF  }
0x98: {  	s19 =	sld [smem:$0x3FDB];
	_ =	sdelay $0x1  }
0x99: {  	s4 =	simm.s32 $_scs_section_size  }
0x9a: {  	s5 =	simm.s32 $_size__tile_overlayer_lowered;
	s6 =	simm.s32 $_tile_overlayer_lowered  }
0x9b: {  	s22 =	simm.s32 $0x1BFF;
	s21 =	sshll.u32 s6, $0x1;
	s3 =	sadd.s32 s4, s19  }
0x9c: {  	s7 =	simm.s32 $0x0;
	s20 =	sshll.u32 s5, $0x1;
	s5 =	sadd.s32 s21, s3  }
0x9d: {  	[timem:s7], [sflag:s22] =	dma.local [hbm:s5], s20  }
0x9e: {  	_ =	swait.ge [sflag:s22], s20  }
0x9f: {  	s4 =	ssub.s32 $0x0, s20;
	[sflag:s22] =	ssyncset.done $0x0  }
0xa0: {  	[sflag:s22] =	ssyncadd.s32 s4;
	_ =	sdelay $0x1  }
0xa1: {  	s23 =	simm.s32 $0x1B8B  }
0xa2: {  	_ =	swait.ge [sflag:s23], $0x1  }
0xa3: {  	[sflag:s23] =	ssyncset.done $0x0  }
0xa4: {  	s25 =	simm.s32 $0x1B8E;
	s24 =	sld [smem:$0x3FFE];
	[sflag:s23] =	ssyncadd.s32 $0xFFFFFFFF  }
0xa5: {  	s26 =	simm.s32 $execute0_lowered;
	[smem:$0x3FD2] =	sst s25  }
0xa6: {  	s5 =	sshll.u32 s26, $0x1;
	_ =	strace $0x80000046;
	[dreg:$0x1] =	wrdreg $0xFFFFFFFF  }
0xa7: {  	s28 =	simm.s32 $_size_execute0_lowered;
	s3 =	sadd.s32 s3, s5;
	[dreg:$0x0] =	wrdreg $0x0  }
0xa8: {  	s5 =	sshll.u32 s28, $0x1;
	[dreg:$0x2] =	wrdreg s3  }
0xa9: {  	[dreg:$0x3] =	wrdreg s5  }
0xaa: {  	[dreg:$0x4] =	wrdreg $0xC0  }
0xab: {  	_ =	task [dreg:s7], $0x5FFFF  }
0xac: {  	[dreg:$0x1] =	wrdreg $0xFFFFFFFF  }
0xad: {  	[dreg:$0x0] =	wrdreg $0x60  }
0xae: {  	[dreg:$0x2] =	wrdreg s24  }
0xaf: {  	[dreg:$0x3] =	wrdreg s2  }
0xb0: {  	[dreg:$0x4] =	wrdreg $0x9  }
0xb1: {  	_ =	task.clear_ibuf [dreg:s7], $0x5FFFF;
	_ =	strace $0x90000046  }
0xb2: {  	s29 =	simm.s32 $0x9;
	_ =	strace $0x80000048  }
0xb3: {  	_ =	swait.ge [sflag:s29], $0x1  }
0xb4: {  	[sflag:s29] =	ssyncadd.s32 $0xFFFFFFFF  }
0xb5: {  	_ =	strace $0x90000048  }
0xb6: {  	_ =	sfence  }
0xb7: {  	s30 =	sld [smem:$0x0];
	_ =	sdelay $0x2  }
0xb8: {  	s31 =	sshll.u32 s1, $0xD;
	s1 =	sshrl.u32 s1, $0x2  }
0xb9: {  	s3 =	sand.u32 $0x4000, s31;
	s1 =	sadd.s32 s1, s30  }
0xba: {  	s0 =	sor.u32 s3, s0;
	s1 =	sshll.u32 s1, $0x11  }
0xbb: {  	s0 =	sor.u32 s1, s0  }
0xbc: {  	s0 =	sadd.s32 $0x8F2B, s0  }
0xbd: {  	[sflag:s0] =	ssyncadd.remote.s32 $0x1  }
0xbe: {  	_ =	sfence.sel $0xFFFF  }
0xbf: {  	[dreg:$0x0] =	wrdreg $0xFFFFFFFF;
	(pc) =	sbr.abs _section_cstart, $3  }
0xc0: {  	[dreg:$0x1] =	wrdreg $0xFFFFFFFF  }
0xc1: {  	_ =	task.clear_ibuf [dreg:s7], $0x2FFFF;
	_ =	strace $0x9FFFFFFF  }
0xc2: {  	(tm) =	ssettm $0x7FFFFFFF  }
0xc3: {  	_ =	shalt  }
tec
execute0_lowered:
.L_overlay_start_1:
0x0: {  	(tag) =	ssettag $0x1  }
0x1: {  	s0 =	rddreg [dreg:$0x0]  }
0x2: {  	s1 =	srdreg.scid;
	s7 =	stileid.u32  }
0x3: {  	s4 =	rddreg [dreg:$0x1];
	s2 =	simm.s32 $0x0;
	s8 =	simm.s32 $0x80  }
0x4: {  	s9 =	simm.s32 $0x1C00;
	s10 =	simm.s32 $0x5C00;
	s12 =	simm.s32 $0x9C00  }
0x5: {  	s14 =	simm.s32 $0xDC00;
	s16 =	simm.s32 $0x11C00;
	s17 =	simm.s32 $0x1  }
0x6: {  	s18 =	simm.s32 $0x2;
	s19 =	simm.s32 $0x15C00;
	s20 =	simm.s32 $0xA  }
0x7: {  	s21 =	simm.s32 $0xB;
	s22 =	simm.s32 $0xC;
	s23 =	simm.s32 $0x9  }
0x8: {  	s24 =	simm.s32 $0x7;
	s28 =	simm.s32 $0x3;
	s29 =	simm.s32 $0x4  }
0x9: {  	s30 =	simm.s32 $0x5;
	s1 =	sand.u32 $0x1, s1;
	s3 =	sshll.u32 s7, $0x1  }
0xa: {  	s31 =	simm.s32 $0x0;
	[smem:$0x7FF] =	sst s2;
	s3 =	sor.u32 s1, s3  }
0xb: {  	s7 =	sshll.u32 s7, $0xC;
	_ =	strace $0x80000047;
	s5 =	smul.u32 $0x380, s3  }
.Ltmp0:
0xc: {  	s6 =	ssub.s32 $0x2, s1;
	s26 =	sadd.s32 s7, s4;
	(pc) =	sbr.rel .LBB2_1-.Ltmp0, $4  }
0xd: {  	s1 =	sshll.u32 s1, $0xB;
	s7 =	simm.s32 $0xD;
	s25 =	sshrl.u32 s6, $0x1  }
0xe: {  	s3 =	sadd.s32 $0x7600, s0;
	s0 =	sadd.s32 s5, s0;
	s5 =	ssub.s32 s6, s25  }
0xf: {  	s25 =	simm.s32 $0x8;
	s0 =	sadd.s32 $0x600, s0;
	s5 =	smax.u32 s5, $0x1  }
0x10: {  	[dreg:$0x3] =	wrdreg s0;
	s0 =	sadd.s32 s1, s26;
	s26 =	simm.s32 $0x6  }
.LBB2_25:
0x11: {  	_ =	swait.ge [sflag:s23], $0x4000  }
0x12: {  	[sflag:s23] =	ssyncset.done $0x0  }
0x13: {  	[sflag:s23] =	ssyncadd.s32 $0xFFFFC000  }
0x14: {  	_ =	swait.ge [sflag:s20], $0x4000  }
0x15: {  	[sflag:s20] =	ssyncset.done $0x0  }
0x16: {  	[sflag:s20] =	ssyncadd.s32 $0xFFFFC000  }
0x17: {  	_ =	swait.ge [sflag:s21], $0x4000  }
0x18: {  	[sflag:s21] =	ssyncset.done $0x0  }
0x19: {  	[sflag:s21] =	ssyncadd.s32 $0xFFFFC000  }
0x1a: {  	_ =	swait.ge [sflag:s22], $0x4000  }
0x1b: {  	[sflag:s22] =	ssyncset.done $0x0  }
0x1c: {  	s31 =	sadd.s32 $0x1, s31;
	[sflag:s22] =	ssyncadd.s32 $0xFFFFC000  }
0x1d: {  	p0 =	sne.s32 s31, s5;
	_ =	swait.ge [sflag:s24], $0x4000  }
.Ltmp1:
0x1e: {  	[sflag:s24] =	ssyncset.done $0x0;
	(pc) =	sbr.rel @!p0 .LBB2_26-.Ltmp1, $4  }
0x1f: {  	[sflag:s24] =	ssyncadd.s32 $0xFFFFC000  }
0x20: {  	_ =	swait.ge [sflag:s25], $0x4000  }
0x21: {  	[sflag:s25] =	ssyncset.done $0x0  }
0x22: {  	[sflag:s25] =	ssyncadd.s32 $0xFFFFC000  }
.LBB2_1:
0x23: {  	s1 =	rddreg [dreg:$0x3]  }
0x24: {  	[tilespmem:s2], [sflag:$0xD] =	stream.linear.gather [hbm4b:s1+s2], $0x1900, $0x38;
	[tilespmem:$0x19C00] =	vst v63  }
0x25: {  	_ =	swait.ge [sflag:s7], $0x1900  }
0x26: {  	[sflag:s7] =	ssyncset.done $0x0  }
0x27: {  	[sflag:s7] =	ssyncadd.s32 $0xFFFFE700  }
0x28: {  	[tilespmem:s9], [sflag:$0x1] =	stream.indirect.gather [hbm4b:s3+s8], $0x80, s2, s8, $0xb8;
	[tilespmem:$0x19C00] =	vst v63  }
0x29: {  	_ = 	snop  }
0x2a: {  	[tilespmem:s10], [sflag:$0x2] =	stream.indirect.gather [hbm4b:s3+s8], $0x80, s8, s8, $0xb8;
	[tilespmem:$0x19C00] =	vst v63  }
0x2b: {  	s11 =	simm.s32 $0x100  }
0x2c: {  	[tilespmem:s12], [sflag:$0x3] =	stream.indirect.gather [hbm4b:s3+s8], $0x80, s11, s8, $0xb8;
	[tilespmem:$0x19C00] =	vst v63  }
.Ltmp2:
0x2d: {  	_ = 	snop;
	(pc) =	sbr.rel .LBB2_2-.Ltmp2, $4  }
0x2e: {  	s13 =	simm.s32 $0x180;
	s15 =	simm.s32 $0x200  }
0x2f: {  	[tilespmem:s14], [sflag:$0x4] =	stream.indirect.gather [hbm4b:s3+s8], $0x80, s13, s8, $0xb8;
	[tilespmem:$0x19C00] =	vst v63  }
0x30: {  	s6 =	smov.u32 s0;
	s1 =	simm.s32 $0x280;
	s11 =	simm.s32 $0x0  }
0x31: {  	[tilespmem:s16], [sflag:$0x5] =	stream.indirect.gather [hbm4b:s3+s8], $0x80, s15, s8, $0xb8;
	[tilespmem:$0x19C00] =	vst v63  }
.LBB2_20:
0x32: {  	_ =	swait.ge [sflag:s22], $0x4000  }
0x33: {  	[sflag:s22] =	ssyncset.done $0x0  }
0x34: {  	[sflag:s22] =	ssyncadd.s32 $0xFFFFC000  }
.LBB2_21:
0x35: {  	[tilespmem:s19], [sflag:$0x6] =	stream.indirect.gather [hbm4b:s3+s8], $0x80, s1, s8, $0xb8;
	[tilespmem:$0x19C00] =	vst v63  }
.LBB2_24:
0x36: {  	s11 =	sadd.s32 $0x1, s11  }
0x37: {  	p0 =	sne.s32 s11, $0x32  }
.Ltmp3:
0x38: {  	_ = 	snop;
	(pc) =	sbr.rel @!p0 .LBB2_25-.Ltmp3, $2  }
0x39: {  	_ =	sdelay $0x2  }
0x3a: {  	s1 =	sadd.s32 $0x80, s1;
	s6 =	sadd.s32 $0x10000, s6  }
.LBB2_2:
0x3b: {  	s13 =	smul.u32 $0xAB, s11;
	_ =	sdelay $0x1  }
0x3c: {  	s13 =	sshrl.u32 s13, $0xA  }
0x3d: {  	s13 =	sand.u32 $0x3F, s13  }
0x3e: {  	s13 =	smul.u32 $0x6, s13;
	_ =	sdelay $0x1  }
0x3f: {  	s13 =	ssub.s32 s11, s13  }
0x40: {  	s13 =	sand.u32 $0xFF, s13  }
0x41: {  	p0 =	sgt.s32 s13, $0x1  }
.Ltmp4:
0x42: {  	_ = 	snop;
	(pc) =	sbr.rel @!p0 .LBB2_3-.Ltmp4, $1  }
0x43: {  	_ =	sdelay $0x3  }
0x44: {  	p0 =	seq.s32 s13, $0x2  }
.Ltmp5:
0x45: {  	_ = 	snop;
	(pc) =	sbr.rel @p0 .LBB2_10-.Ltmp5, $1  }
0x46: {  	_ =	sdelay $0x3  }
0x47: {  	p0 =	seq.s32 s13, $0x3  }
.Ltmp6:
0x48: {  	_ = 	snop;
	(pc) =	sbr.rel @p0 .LBB2_11-.Ltmp6, $1  }
0x49: {  	_ =	sdelay $0x3  }
0x4a: {  	p0 =	seq.s32 s13, $0x4  }
.Ltmp7:
0x4b: {  	_ = 	snop;
	(pc) =	sbr.rel @!p0 .LBB2_13-.Ltmp7, $1  }
0x4c: {  	_ =	sdelay $0x3  }
.Ltmp8:
0x4d: {  	(pc) =	sbr.rel .LBB2_14-.Ltmp8, $4  }
0x4e: {  	_ =	swait.ge [sflag:s30], $0x4000  }
0x4f: {  	[sflag:s30] =	ssyncset.done $0x0  }
0x50: {  	[sflag:s30] =	ssyncadd.s32 $0xFFFFC000  }
0x51: {  	[hbm4b:s6+s2] =	stream.linear.scatter [tilespmem:s16], [sflag:$0xB], $0x4000, $0x38;
	[tilespmem:$0x19C00] =	vst v63  }
.LBB2_3:
0x52: {  	p0 =	seq.s32 s13, $0x0  }
.Ltmp9:
0x53: {  	_ = 	snop;
	(pc) =	sbr.rel @p0 .LBB2_12-.Ltmp9, $1  }
0x54: {  	_ =	sdelay $0x3  }
0x55: {  	p0 =	seq.s32 s13, $0x1  }
.Ltmp10:
0x56: {  	_ = 	snop;
	(pc) =	sbr.rel @!p0 .LBB2_13-.Ltmp10, $1  }
0x57: {  	_ =	sdelay $0x3  }
.Ltmp11:
0x58: {  	(pc) =	sbr.rel .LBB2_14-.Ltmp11, $4  }
0x59: {  	_ =	swait.ge [sflag:s18], $0x4000  }
0x5a: {  	[sflag:s18] =	ssyncset.done $0x0  }
0x5b: {  	[sflag:s18] =	ssyncadd.s32 $0xFFFFC000  }
0x5c: {  	[hbm4b:s6+s2] =	stream.linear.scatter [tilespmem:s10], [sflag:$0x8], $0x4000, $0x38;
	[tilespmem:$0x19C00] =	vst v63  }
.LBB2_10:
.Ltmp12:
0x5d: {  	(pc) =	sbr.rel .LBB2_14-.Ltmp12, $4  }
0x5e: {  	_ =	swait.ge [sflag:s28], $0x4000  }
0x5f: {  	[sflag:s28] =	ssyncset.done $0x0  }
0x60: {  	[sflag:s28] =	ssyncadd.s32 $0xFFFFC000  }
0x61: {  	[hbm4b:s6+s2] =	stream.linear.scatter [tilespmem:s12], [sflag:$0x9], $0x4000, $0x38;
	[tilespmem:$0x19C00] =	vst v63  }
.LBB2_11:
.Ltmp13:
0x62: {  	(pc) =	sbr.rel .LBB2_14-.Ltmp13, $4  }
0x63: {  	_ =	swait.ge [sflag:s29], $0x4000  }
0x64: {  	[sflag:s29] =	ssyncset.done $0x0  }
0x65: {  	[sflag:s29] =	ssyncadd.s32 $0xFFFFC000  }
0x66: {  	[hbm4b:s6+s2] =	stream.linear.scatter [tilespmem:s14], [sflag:$0xA], $0x4000, $0x38;
	[tilespmem:$0x19C00] =	vst v63  }
.LBB2_12:
.Ltmp14:
0x67: {  	(pc) =	sbr.rel .LBB2_14-.Ltmp14, $4  }
0x68: {  	_ =	swait.ge [sflag:s17], $0x4000  }
0x69: {  	[sflag:s17] =	ssyncset.done $0x0  }
0x6a: {  	[sflag:s17] =	ssyncadd.s32 $0xFFFFC000  }
0x6b: {  	[hbm4b:s6+s2] =	stream.linear.scatter [tilespmem:s9], [sflag:$0x7], $0x4000, $0x38;
	[tilespmem:$0x19C00] =	vst v63  }
.LBB2_13:
0x6c: {  	_ =	swait.ge [sflag:s26], $0x4000  }
0x6d: {  	[sflag:s26] =	ssyncset.done $0x0  }
0x6e: {  	[sflag:s26] =	ssyncadd.s32 $0xFFFFC000  }
0x6f: {  	[hbm4b:s6+s2] =	stream.linear.scatter [tilespmem:s19], [sflag:$0xC], $0x4000, $0x38;
	[tilespmem:$0x19C00] =	vst v63  }
.LBB2_14:
0x70: {  	p0 =	sgt.u32 s11, $0x2C  }
.Ltmp15:
0x71: {  	_ = 	snop;
	(pc) =	sbr.rel @p0 .LBB2_24-.Ltmp15, $1  }
0x72: {  	_ =	sdelay $0x3  }
0x73: {  	p0 =	seq.s32 s11, $0x0  }
.Ltmp16:
0x74: {  	_ = 	snop;
	(pc) =	sbr.rel @p0 .LBB2_21-.Ltmp16, $1  }
0x75: {  	_ =	sdelay $0x3  }
0x76: {  	s13 =	sadd.s32 $0x5, s11  }
0x77: {  	s15 =	smul.u32 $0xAB, s13;
	_ =	sdelay $0x1  }
0x78: {  	s15 =	sshrl.u32 s15, $0xA  }
0x79: {  	s15 =	sand.u32 $0x3F, s15  }
0x7a: {  	s15 =	smul.u32 $0x6, s15;
	_ =	sdelay $0x1  }
0x7b: {  	s13 =	ssub.s32 s13, s15  }
0x7c: {  	s13 =	sand.u32 $0xFF, s13  }
0x7d: {  	p0 =	sgt.s32 s13, $0x2  }
.Ltmp17:
0x7e: {  	_ = 	snop;
	(pc) =	sbr.rel @p0 .LBB2_18-.Ltmp17, $1  }
0x7f: {  	_ =	sdelay $0x3  }
0x80: {  	p0 =	seq.s32 s13, $0x0  }
0x81: {  	s15 =	simm.s32 @p0 $0x7  }
0x82: {  	_ =	swait.ge @p0 [sflag:s15], $0x4000  }
0x83: {  	s4 =	simm.s32 @p0 $0x1C00;
	p1 =	seq.s32 @!p0 s13, $0x1;
	[sflag:s15] =	ssyncset.done @p0 $0x0  }
0x84: {  	p2 =	por !p1, p0;
	[sflag:s15] =	ssyncadd.s32 @p0 $0xFFFFC000;
	s15 =	simm.s32 @p0 $0x80  }
0x85: {  	[tilespmem:s4], [sflag:$0x1] =	stream.indirect.gather @p0 [hbm4b:s3+s15], $0x80, s1, s15, $0xb8;
	[tilespmem:$0x19C00] =	vst v63  }
0x86: {  	s4 =	simm.s32 @!p2 $0x8  }
0x87: {  	_ =	swait.ge @!p2 [sflag:s4], $0x4000  }
0x88: {  	s13 =	simm.s32 @!p2 $0x5C00;
	[sflag:s4] =	ssyncset.done @!p2 $0x0  }
0x89: {  	p0 =	por p1, p0;
	[sflag:s4] =	ssyncadd.s32 @!p2 $0xFFFFC000;
	s4 =	simm.s32 @!p2 $0x80  }
0x8a: {  	[tilespmem:s13], [sflag:$0x2] =	stream.indirect.gather @!p2 [hbm4b:s3+s4], $0x80, s1, s4, $0xb8;
	[tilespmem:$0x19C00] =	vst v63  }
.Ltmp18:
0x8b: {  	s4 =	simm.s32 @!p0 $0x9;
	(pc) =	sbr.rel .LBB2_24-.Ltmp18, $4  }
0x8c: {  	_ =	swait.ge @!p0 [sflag:s4], $0x4000  }
0x8d: {  	[sflag:s4] =	ssyncset.done @!p0 $0x0  }
0x8e: {  	s13 =	simm.s32 @!p0 $0x9C00;
	[sflag:s4] =	ssyncadd.s32 @!p0 $0xFFFFC000;
	s4 =	simm.s32 @!p0 $0x80  }
0x8f: {  	[tilespmem:s13], [sflag:$0x3] =	stream.indirect.gather @!p0 [hbm4b:s3+s4], $0x80, s1, s4, $0xb8;
	[tilespmem:$0x19C00] =	vst v63  }
.LBB2_18:
0x90: {  	p0 =	seq.s32 s13, $0x3  }
.Ltmp19:
0x91: {  	_ = 	snop;
	(pc) =	sbr.rel @p0 .LBB2_22-.Ltmp19, $1  }
0x92: {  	_ =	sdelay $0x3  }
0x93: {  	p0 =	seq.s32 s13, $0x4  }
.Ltmp20:
0x94: {  	_ = 	snop;
	(pc) =	sbr.rel @!p0 .LBB2_20-.Ltmp20, $1  }
0x95: {  	_ =	sdelay $0x3  }
.Ltmp21:
0x96: {  	(pc) =	sbr.rel .LBB2_24-.Ltmp21, $4  }
0x97: {  	_ =	swait.ge [sflag:s21], $0x4000  }
0x98: {  	[sflag:s21] =	ssyncset.done $0x0  }
0x99: {  	[sflag:s21] =	ssyncadd.s32 $0xFFFFC000  }
0x9a: {  	[tilespmem:s16], [sflag:$0x5] =	stream.indirect.gather [hbm4b:s3+s8], $0x80, s1, s8, $0xb8;
	[tilespmem:$0x19C00] =	vst v63  }
.LBB2_22:
.Ltmp22:
0x9b: {  	(pc) =	sbr.rel .LBB2_24-.Ltmp22, $4  }
0x9c: {  	_ =	swait.ge [sflag:s20], $0x4000  }
0x9d: {  	[sflag:s20] =	ssyncset.done $0x0  }
0x9e: {  	[sflag:s20] =	ssyncadd.s32 $0xFFFFC000  }
0x9f: {  	[tilespmem:s14], [sflag:$0x4] =	stream.indirect.gather [hbm4b:s3+s8], $0x80, s1, s8, $0xb8;
	[tilespmem:$0x19C00] =	vst v63  }
.LBB2_26:
0xa0: {  	_ =	sfence.sel $0x180000  }
0xa1: {  	[bflag:$0x0] =	sbarrier.arrive $0xFFFF  }
0xa2: {  	_ =	strace $0x90000047  }
0xa3: {  	s0 =	stileid.u32;
	[bflag:$0x2] =	sbarrier.arrive $0xFFFF  }
0xa4: {  	p0 =	sne.s32 s0, $0x0;
	s0 =	rddreg [dreg:$0x2]  }
0xa5: {  	s0 =	sadd.s32 @!p0 $0x100000, s0  }
0xa6: {  	[sflag:s0] =	ssyncadd.tile.s32 @!p0 $0x1;
	_ =	shalt  }
.Lfunc_end2:
_tile_overlayer_lowered:
.L_overlay_start_2:
0xa7: {  	(tag) =	ssettag $0x2  }
0xa8: {  	s0 =	rddreg [dreg:$0x0];
	s2 =	stileid.u32  }
0xa9: {  	s1 =	rddreg [dreg:$0x1];
	p0 =	sne.s32 s2, $0x0  }
0xaa: {  	s3 =	rddreg [dreg:$0x2];
	[bflag:$0x3] =	sbarrier.arrive $0xFFFF;
	s2 =	simm.s32 @!p0 $0x1C0D  }
0xab: {  	[timem:s3], [sflag:s2] =	dma.local @!p0 [hbm:s0], s1  }
0xac: {  	s0 =	simm.s32 @!p0 $0xD  }
0xad: {  	_ =	swait.ge @!p0 [sflag:s0], s1  }
0xae: {  	s1 =	ssub.s32 @!p0 $0x0, s1;
	[sflag:s0] =	ssyncset.done @!p0 $0x0  }
0xaf: {  	[sflag:s0] =	ssyncadd.s32 @!p0 s1  }
0xb0: {  	[bflag:$0x3] =	sbarrier.arrive $0xFFFF  }
0xb1: {  	_ =	shalt  }

</sc_bundles>
